<compile_context>
chip_gen: v7x
topology: tpu7x:2x2x1
jax: 0.10.2.dev20260603
libtpu: 0.0.44.dev20260713+nightly
codegen_flags: <defaults>
</compile_context>

<pallas_src>
import functools

import jax
import jax.numpy as jnp
from jax.experimental import pallas as pl
from jax.experimental.pallas import tpu as pltpu
from jax.experimental.pallas import tpu_sc as plsc

_NF = 51
_BLK = 8192
_MOM = 0.1
_EPS = 1e-5
_NW = 32


def _tca_kernel(lt_ref, labels_ref, pt_ref, pred_ref, diag_ref):
    lt = lt_ref[...]
    lab = labels_ref[0]
    riota = jax.lax.broadcasted_iota(jnp.int32, (_NF, _BLK), 0)

    ml = jnp.where(riota >= 1, lt, -jnp.inf)
    mx = jnp.max(ml, axis=0, keepdims=True)
    pred = jnp.min(jnp.where(ml == mx, riota, _NF + 1), axis=0,
                   keepdims=True)

    mfull = jnp.maximum(mx, lt[0:1, :])
    e = jnp.exp(lt - mfull)
    probs = e / jnp.sum(e, axis=0, keepdims=True)
    pt_ref[...] = probs

    fg = lab != 0
    oh_lab = ((riota == lab) & fg).astype(jnp.float32)
    pred_ref[0] = pred
    diag_ref[0] = jnp.sum(probs * oh_lab, axis=0, keepdims=True)


def _sc_stats(lab_flat, pred_flat, diag_flat):
    b = lab_flat.shape[0]
    per = b // _NW
    mesh = plsc.VectorSubcoreMesh(core_axis_name="c", subcore_axis_name="s")

    @functools.partial(
        pl.kernel,
        out_type=[
            jax.ShapeDtypeStruct((_NW, _NF, 64), jnp.float32),
            jax.ShapeDtypeStruct((_NW, 2, 64), jnp.float32),
        ],
        mesh=mesh,
        compiler_params=pltpu.CompilerParams(needs_layout_passes=False),
        scratch_types=[
            pltpu.VMEM((per,), jnp.int32),
            pltpu.VMEM((per,), jnp.int32),
            pltpu.VMEM((per,), jnp.float32),
            pltpu.VMEM((16 * (_NF + 2) * 64,), jnp.float32),
            pltpu.VMEM((_NF + 2, 64), jnp.float32),
        ],
    )
    def run(lab_hbm, pred_hbm, diag_hbm, ct_hbm, spcnt_hbm,
            lab_v, pred_v, diag_v, tab, red):
        wid = jax.lax.axis_index("s") * 2 + jax.lax.axis_index("c")
        base = wid * per
        pltpu.sync_copy(lab_hbm.at[pl.ds(base, per)], lab_v)
        pltpu.sync_copy(pred_hbm.at[pl.ds(base, per)], pred_v)
        pltpu.sync_copy(diag_hbm.at[pl.ds(base, per)], diag_v)

        z = jnp.zeros((16,), jnp.float32)
        lstride = (_NF + 2) * 64

        def zero_chunk(j, carry):
            for cc in range(4):
                tab[pl.ds(j * 64 + cc * 16, 16)] = z
            return carry

        jax.lax.fori_loop(0, 16 * (_NF + 2), zero_chunk, 0)

        lanes = jax.lax.broadcasted_iota(jnp.int32, (16,), 0)
        lane_off = lanes * lstride
        ones = jnp.ones((16,), jnp.float32)

        def hist(c, carry):
            lab = lab_v[pl.ds(c * 16, 16)]
            prd = pred_v[pl.ds(c * 16, 16)]
            dg = diag_v[pl.ds(c * 16, 16)]
            msk = lab != 0
            kct = lane_off + prd * 64 + lab
            plsc.addupdate_scatter(tab, [kct], ones, mask=msk)
            ksp = lane_off + (_NF * 64) + lab
            plsc.addupdate_scatter(tab, [ksp], dg, mask=msk)
            plsc.addupdate_scatter(tab, [ksp + 64], ones, mask=msk)
            return carry

        jax.lax.fori_loop(0, per // 16, hist, 0)

        def lane_reduce(r, carry):
            for cc in range(4):
                acc = tab[pl.ds(r * 64 + cc * 16, 16)]
                for lane in range(1, 16):
                    acc = acc + tab[pl.ds(lane * lstride + r * 64 + cc * 16,
                                          16)]
                red[r, pl.ds(cc * 16, 16)] = acc
            return carry

        jax.lax.fori_loop(0, _NF + 2, lane_reduce, 0)

        pltpu.sync_copy(red.at[pl.ds(0, _NF)], ct_hbm.at[wid])
        pltpu.sync_copy(red.at[pl.ds(_NF, 2)], spcnt_hbm.at[wid])

    return run(lab_flat, pred_flat, diag_flat)


def _tcb_kernel(pt_ref, ct_ref, spcnt_ref, rlp_ref, rcpt_ref, out_ref,
                w2_scr):
    i = pl.program_id(0)

    @pl.when(i == 0)
    def _solve():
        ct = jnp.sum(ct_ref[...], axis=0)[:, :_NF]
        sc = jnp.sum(spcnt_ref[...], axis=0)
        sp_col = sc[0:1, :_NF]
        cnt_col = sc[1:2, :_NF]
        m_t = ct + rcpt_ref[...]
        cn = m_t / jnp.sum(m_t, axis=1, keepdims=True)
        lp = sp_col / cnt_col
        rlp = rlp_ref[...]
        rlp_new = jnp.where(cnt_col > 0.0,
                            _MOM * lp + (1.0 - _MOM) * rlp, rlp)
        rp = jax.lax.dot_general(
            rlp_new, cn, (((1,), (0,)), ((), ())),
            preferred_element_type=jnp.float32)
        w2_scr[...] = cn / (rp + _EPS)

    pt = pt_ref[...]
    out_ref[...] = jax.lax.dot_general(
        pt, w2_scr[...], (((0,), (0,)), ((), ())),
        preferred_element_type=jnp.float32)


def kernel(relation_logits, rel_labels, running_labeling_prob,
           running_column_prob, running_label):
    b, nf = relation_logits.shape
    nb = b // _BLK
    lt = relation_logits.T
    labels3 = rel_labels.reshape(nb, 1, _BLK)
    rlp2 = running_labeling_prob.reshape(1, nf)
    rcpt = running_column_prob.T

    probs_t, pred3, diag3 = pl.pallas_call(
        _tca_kernel,
        grid=(nb,),
        in_specs=[
            pl.BlockSpec((nf, _BLK), lambda i: (0, i)),
            pl.BlockSpec((1, 1, _BLK), lambda i: (i, 0, 0)),
        ],
        out_specs=[
            pl.BlockSpec((nf, _BLK), lambda i: (0, i)),
            pl.BlockSpec((1, 1, _BLK), lambda i: (i, 0, 0)),
            pl.BlockSpec((1, 1, _BLK), lambda i: (i, 0, 0)),
        ],
        out_shape=[
            jax.ShapeDtypeStruct((nf, b), jnp.float32),
            jax.ShapeDtypeStruct((nb, 1, _BLK), jnp.int32),
            jax.ShapeDtypeStruct((nb, 1, _BLK), jnp.float32),
        ],
    )(lt, labels3)

    ct_parts, spcnt_parts = _sc_stats(
        rel_labels, pred3.reshape(b), diag3.reshape(b))

    return pl.pallas_call(
        _tcb_kernel,
        grid=(nb,),
        in_specs=[
            pl.BlockSpec((nf, _BLK), lambda i: (0, i)),
            pl.BlockSpec((_NW, nf, 64), lambda i: (0, 0, 0)),
            pl.BlockSpec((_NW, 2, 64), lambda i: (0, 0, 0)),
            pl.BlockSpec((1, nf), lambda i: (0, 0)),
            pl.BlockSpec((nf, nf), lambda i: (0, 0)),
        ],
        out_specs=pl.BlockSpec((_BLK, nf), lambda i: (i, 0)),
        out_shape=jax.ShapeDtypeStruct((b, nf), jnp.float32),
        scratch_shapes=[
            pltpu.VMEM((nf, nf), jnp.float32),
        ],
    )(probs_t, ct_parts, spcnt_parts, rlp2, rcpt)

# --- scband reference (transcript-rebuilt; emitter-appended) ---
"""Pipeline reference for scband-balanced-norm1d-82282983457247 (READ-ONLY COPY).

The authoritative reference and input builder live on the scoring server;
editing this copy changes nothing except your own understanding.
"""

import jax, jax.numpy as jnp
import numpy as np

NF = 51
B = 16384
EPS = 1e-05
MOMENTUM = 0.1
INIT_PROB = 0.03


def setup_inputs(seed: int = 0) -> dict:
    key = jax.random.key(seed)
    k1, k2 = jax.random.split(key)
    relation_logits = jax.random.normal(k1, (B, NF), dtype=jnp.float32)
    rel_labels = jax.random.randint(k2, (B,), 0, NF, dtype=jnp.int32)
    running_labeling_prob = jnp.full((NF,), INIT_PROB, dtype=jnp.float32).at[0].set(1.0)
    running_column_prob = jnp.eye(NF, dtype=jnp.float32)
    running_label = jnp.ones((NF,), dtype=jnp.float32)
    return {
        'relation_logits': relation_logits,
        'rel_labels': rel_labels,
        'running_labeling_prob': running_labeling_prob,
        'running_column_prob': running_column_prob,
        'running_label': running_label,
    }


def reference(relation_logits, rel_labels, running_labeling_prob, running_column_prob, running_label):
    # training-mode forward of BalancedNorm1d (with_gradient=False, momentum=0.1)
    nf = relation_logits.shape[1]
    b = rel_labels.shape[0]
    exponential_average_factor = MOMENTUM

    fg_mask = (rel_labels != 0).astype(jnp.float32)
    fg_relation_probs = jax.nn.softmax(relation_logits, axis=-1)

    pred_labels = jnp.argmax(relation_logits[:, 1:], axis=-1) + 1

    # scatter-add: counts of (true_label, predicted_label) pairs, equivalent to
    # per-sample one-hot [Nfg, F, F] set followed by sum over samples
    fg_pred_relation_probs = jnp.zeros((nf, nf), dtype=jnp.float32).at[rel_labels, pred_labels].add(fg_mask)

    onehot = jnp.zeros_like(fg_relation_probs, shape=(b, nf)).at[jnp.arange(b), rel_labels].set(fg_mask)
    labeling_prob = jnp.sum(fg_relation_probs * onehot, axis=0) / jnp.sum(onehot, axis=0)
    non_nan = ~jnp.isnan(labeling_prob)

    # buffer updates (torch.no_grad path)
    running_column_prob = fg_pred_relation_probs + running_column_prob
    running_label = running_label + jnp.sum(onehot, axis=0)
    running_labeling_prob = jnp.where(
        non_nan,
        exponential_average_factor * labeling_prob + (1.0 - exponential_average_factor) * running_labeling_prob,
        running_labeling_prob,
    )

    beta = 1.0
    beta2 = 0.0
    col_norm = (jnp.diag(jnp.sum(running_column_prob, 0)) * beta2 + running_column_prob * beta) / (
        jnp.sum(running_column_prob, 0) * (beta2 + beta))
    row_norm = (jnp.diag(jnp.sum(running_column_prob, 1)) * beta2 + running_column_prob * beta) / (
        jnp.sum(running_column_prob, 1) * (beta2 + beta))

    running_relation_logits = jnp.tile(running_labeling_prob[None, :], (nf, 1))
    running_pred_column = jnp.sum(running_relation_logits * col_norm, -1)
    running_pred_row = jnp.sum(running_relation_logits * row_norm, -1)
    running_pred = running_pred_column

    probs = jax.nn.softmax(relation_logits, axis=-1)
    fg_rel = jnp.tile(probs[:, None, :], (1, nf, 1))
    fg_pred_column = jnp.sum(fg_rel * col_norm, -1)
    fg_pred_row = jnp.sum(fg_rel * row_norm, -1)
    fg_pred = fg_pred_column

    relation_probs_norm = fg_pred / (running_pred + EPS)
    return relation_probs_norm

if __name__ == "__main__":
    import jax
    _d = setup_inputs()
    print(jax.jit(kernel)(*tuple(_d.values())))

</pallas_src>

<mosaic_0001>
#map = affine_map<(d0, d1) -> (0)>
#map1 = affine_map<(d0, d1) -> (0, 0, 0)>
module attributes {stable_mosaic.version = 14 : i64} {
  func.func @run(%arg0: i32, %arg1: i32, %arg2: memref<16384xi32, #tpu.memory_space<hbm>>, %arg3: memref<16384xi32, #tpu.memory_space<hbm>>, %arg4: memref<16384xf32, #tpu.memory_space<hbm>>, %arg5: memref<32x51x64xf32, #tpu.memory_space<hbm>>, %arg6: memref<32x2x64xf32, #tpu.memory_space<hbm>>, %arg7: memref<512xi32, #tpu.memory_space<vmem>>, %arg8: memref<512xi32, #tpu.memory_space<vmem>>, %arg9: memref<512xf32, #tpu.memory_space<vmem>>, %arg10: memref<54272xf32, #tpu.memory_space<vmem>>, %arg11: memref<53x64xf32, #tpu.memory_space<vmem>>) attributes {dimension_semantics = [#tpu.dimension_semantics<core_parallel>, #tpu.dimension_semantics<subcore_parallel>], iteration_bounds = array<i64: 2, 16>, scalar_prefetch = 0 : i64, scratch_operands = 5 : i64, tpu.core_type = #tpu.core_type<sc_vector_subcore>, window_params = [{transform_indices = #map}, {transform_indices = #map}, {transform_indices = #map}, {transform_indices = #map1}, {transform_indices = #map1}]} {
    %mul3A = arith.constant 2 : i32
    %mul3A_0 = arith.muli %arg1, %mul3A : i32
    %add3A = arith.addi %mul3A_0, %arg0 : i32
    %mul3A_1 = arith.constant 512 : i32
    %mul3A_2 = arith.muli %add3A, %mul3A_1 : i32
    "tpu.region"() ({
      %run_scoped3A = tpu.sem_alloc : memref<!tpu.dma_semaphore, #tpu.memory_space<semaphore_mem>>
      %dma_start3A = tpu.memref_slice %arg2[%mul3A_2] : memref<16384xi32, #tpu.memory_space<hbm>> -> memref<512xi32, #tpu.memory_space<hbm>>
      %dma_start3A_26 = tpu.memref_slice %arg2[%mul3A_2] : memref<16384xi32, #tpu.memory_space<hbm>> -> memref<512xi32, #tpu.memory_space<hbm>>
      tpu.enqueue_dma source(%dma_start3A_26 : memref<512xi32, #tpu.memory_space<hbm>>) target(%arg7 : memref<512xi32, #tpu.memory_space<vmem>>) target_semaphore(%run_scoped3A : memref<!tpu.dma_semaphore, #tpu.memory_space<semaphore_mem>>)
      %dma_wait3A = tpu.memref_slice %arg2[%mul3A_2] : memref<16384xi32, #tpu.memory_space<hbm>> -> memref<512xi32, #tpu.memory_space<hbm>>
      %dma_wait3A_27 = tpu.memref_slice %arg2[%mul3A_2] : memref<16384xi32, #tpu.memory_space<hbm>> -> memref<512xi32, #tpu.memory_space<hbm>>
      tpu.wait_dma2 semaphore(%run_scoped3A : memref<!tpu.dma_semaphore, #tpu.memory_space<semaphore_mem>>) src(%dma_wait3A_27 : memref<512xi32, #tpu.memory_space<hbm>>) dst(%arg7 : memref<512xi32, #tpu.memory_space<vmem>>)
      tpu.yield
    }) : () -> ()
    "tpu.region"() ({
      %run_scoped3A = tpu.sem_alloc : memref<!tpu.dma_semaphore, #tpu.memory_space<semaphore_mem>>
      %dma_start3A = tpu.memref_slice %arg3[%mul3A_2] : memref<16384xi32, #tpu.memory_space<hbm>> -> memref<512xi32, #tpu.memory_space<hbm>>
      %dma_start3A_26 = tpu.memref_slice %arg3[%mul3A_2] : memref<16384xi32, #tpu.memory_space<hbm>> -> memref<512xi32, #tpu.memory_space<hbm>>
      tpu.enqueue_dma source(%dma_start3A_26 : memref<512xi32, #tpu.memory_space<hbm>>) target(%arg8 : memref<512xi32, #tpu.memory_space<vmem>>) target_semaphore(%run_scoped3A : memref<!tpu.dma_semaphore, #tpu.memory_space<semaphore_mem>>)
      %dma_wait3A = tpu.memref_slice %arg3[%mul3A_2] : memref<16384xi32, #tpu.memory_space<hbm>> -> memref<512xi32, #tpu.memory_space<hbm>>
      %dma_wait3A_27 = tpu.memref_slice %arg3[%mul3A_2] : memref<16384xi32, #tpu.memory_space<hbm>> -> memref<512xi32, #tpu.memory_space<hbm>>
      tpu.wait_dma2 semaphore(%run_scoped3A : memref<!tpu.dma_semaphore, #tpu.memory_space<semaphore_mem>>) src(%dma_wait3A_27 : memref<512xi32, #tpu.memory_space<hbm>>) dst(%arg8 : memref<512xi32, #tpu.memory_space<vmem>>)
      tpu.yield
    }) : () -> ()
    "tpu.region"() ({
      %run_scoped3A = tpu.sem_alloc : memref<!tpu.dma_semaphore, #tpu.memory_space<semaphore_mem>>
      %dma_start3A = tpu.memref_slice %arg4[%mul3A_2] : memref<16384xf32, #tpu.memory_space<hbm>> -> memref<512xf32, #tpu.memory_space<hbm>>
      %dma_start3A_26 = tpu.memref_slice %arg4[%mul3A_2] : memref<16384xf32, #tpu.memory_space<hbm>> -> memref<512xf32, #tpu.memory_space<hbm>>
      tpu.enqueue_dma source(%dma_start3A_26 : memref<512xf32, #tpu.memory_space<hbm>>) target(%arg9 : memref<512xf32, #tpu.memory_space<vmem>>) target_semaphore(%run_scoped3A : memref<!tpu.dma_semaphore, #tpu.memory_space<semaphore_mem>>)
      %dma_wait3A = tpu.memref_slice %arg4[%mul3A_2] : memref<16384xf32, #tpu.memory_space<hbm>> -> memref<512xf32, #tpu.memory_space<hbm>>
      %dma_wait3A_27 = tpu.memref_slice %arg4[%mul3A_2] : memref<16384xf32, #tpu.memory_space<hbm>> -> memref<512xf32, #tpu.memory_space<hbm>>
      tpu.wait_dma2 semaphore(%run_scoped3A : memref<!tpu.dma_semaphore, #tpu.memory_space<semaphore_mem>>) src(%dma_wait3A_27 : memref<512xf32, #tpu.memory_space<hbm>>) dst(%arg9 : memref<512xf32, #tpu.memory_space<vmem>>)
      tpu.yield
    }) : () -> ()
    %broadcast_in_dim3A = arith.constant 0.000000e+00 : f32
    %broadcast_in_dim3A_3 = vector.broadcast %broadcast_in_dim3A : f32 to vector<16xf32>
    %scan3A = arith.constant 0 : i32
    %scan3A_4 = arith.constant 0 : i32
    %scan3A_5 = arith.constant 848 : i32
    %scan3A_6 = arith.addi %scan3A_4, %scan3A_5 : i32
    %scan3A_7 = arith.constant 1 : i32
    scf.for %scan3A_26 = %scan3A_4 to %scan3A_6 step %scan3A_7  : i32 {
      %mul3A_27 = arith.constant 64 : i32
      %mul3A_28 = arith.muli %scan3A_26, %mul3A_27 : i32
      %add3A_29 = arith.constant 0 : i32
      %add3A_30 = arith.addi %mul3A_28, %add3A_29 : i32
      %swap3A = arith.index_cast %add3A_30 : i32 to index
      %swap3A_31 = tpu.vector_load %arg10[%swap3A] {strides = array<i32>} : memref<54272xf32, #tpu.memory_space<vmem>>, vector<16xf32>,
      tpu.vector_store %arg10[%swap3A], %broadcast_in_dim3A_3 {strides = array<i32>} : memref<54272xf32, #tpu.memory_space<vmem>>, vector<16xf32>,
      %mul3A_32 = arith.constant 64 : i32
      %mul3A_33 = arith.muli %scan3A_26, %mul3A_32 : i32
      %add3A_34 = arith.constant 16 : i32
      %add3A_35 = arith.addi %mul3A_33, %add3A_34 : i32
      %swap3A_36 = arith.index_cast %add3A_35 : i32 to index
      %swap3A_37 = tpu.vector_load %arg10[%swap3A_36] {strides = array<i32>} : memref<54272xf32, #tpu.memory_space<vmem>>, vector<16xf32>,
      tpu.vector_store %arg10[%swap3A_36], %broadcast_in_dim3A_3 {strides = array<i32>} : memref<54272xf32, #tpu.memory_space<vmem>>, vector<16xf32>,
      %mul3A_38 = arith.constant 64 : i32
      %mul3A_39 = arith.muli %scan3A_26, %mul3A_38 : i32
      %add3A_40 = arith.constant 32 : i32
      %add3A_41 = arith.addi %mul3A_39, %add3A_40 : i32
      %swap3A_42 = arith.index_cast %add3A_41 : i32 to index
      %swap3A_43 = tpu.vector_load %arg10[%swap3A_42] {strides = array<i32>} : memref<54272xf32, #tpu.memory_space<vmem>>, vector<16xf32>,
      tpu.vector_store %arg10[%swap3A_42], %broadcast_in_dim3A_3 {strides = array<i32>} : memref<54272xf32, #tpu.memory_space<vmem>>, vector<16xf32>,
      %mul3A_44 = arith.constant 64 : i32
      %mul3A_45 = arith.muli %scan3A_26, %mul3A_44 : i32
      %add3A_46 = arith.constant 48 : i32
      %add3A_47 = arith.addi %mul3A_45, %add3A_46 : i32
      %swap3A_48 = arith.index_cast %add3A_47 : i32 to index
      %swap3A_49 = tpu.vector_load %arg10[%swap3A_48] {strides = array<i32>} : memref<54272xf32, #tpu.memory_space<vmem>>, vector<16xf32>,
      tpu.vector_store %arg10[%swap3A_48], %broadcast_in_dim3A_3 {strides = array<i32>} : memref<54272xf32, #tpu.memory_space<vmem>>, vector<16xf32>,
    }
    %scan3A_8 = arith.constant 848 : i32
    %iota3A = tpu.iota {dimensions = array<i32: 0>} : vector<16xi32>
    %mul3A_9 = arith.constant 3392 : i32
    %mul3A_10 = vector.broadcast %mul3A_9 : i32 to vector<16xi32>
    %mul3A_11 = arith.muli %iota3A, %mul3A_10 : vector<16xi32>
    %broadcast_in_dim3A_12 = arith.constant 1.000000e+00 : f32
    %broadcast_in_dim3A_13 = vector.broadcast %broadcast_in_dim3A_12 : f32 to vector<16xf32>
    %scan3A_14 = arith.constant 0 : i32
    %scan3A_15 = arith.constant 0 : i32
    %scan3A_16 = arith.constant 32 : i32
    %scan3A_17 = arith.addi %scan3A_15, %scan3A_16 : i32
    %scan3A_18 = arith.constant 1 : i32
    scf.for %scan3A_26 = %scan3A_15 to %scan3A_17 step %scan3A_18  : i32 {
      %mul3A_27 = arith.constant 16 : i32
      %mul3A_28 = arith.muli %scan3A_26, %mul3A_27 : i32
      %get3A = arith.index_cast %mul3A_28 : i32 to index
      %get3A_29 = tpu.vector_load %arg7[%get3A] {strides = array<i32>} : memref<512xi32, #tpu.memory_space<vmem>>, vector<16xi32>,
      %mul3A_30 = arith.constant 16 : i32
      %mul3A_31 = arith.muli %scan3A_26, %mul3A_30 : i32
      %get3A_32 = arith.index_cast %mul3A_31 : i32 to index
      %get3A_33 = tpu.vector_load %arg8[%get3A_32] {strides = array<i32>} : memref<512xi32, #tpu.memory_space<vmem>>, vector<16xi32>,
      %mul3A_34 = arith.constant 16 : i32
      %mul3A_35 = arith.muli %scan3A_26, %mul3A_34 : i32
      %get3A_36 = arith.index_cast %mul3A_35 : i32 to index
      %get3A_37 = tpu.vector_load %arg9[%get3A_36] {strides = array<i32>} : memref<512xf32, #tpu.memory_space<vmem>>, vector<16xf32>,
      %ne3A = arith.constant 0 : i32
      %ne3A_38 = vector.broadcast %ne3A : i32 to vector<16xi32>
      %ne3A_39 = arith.cmpi ne, %get3A_29, %ne3A_38 : vector<16xi32>
      %mul3A_40 = arith.constant 64 : i32
      %mul3A_41 = vector.broadcast %mul3A_40 : i32 to vector<16xi32>
      %mul3A_42 = arith.muli %get3A_33, %mul3A_41 : vector<16xi32>
      %add3A_43 = arith.addi %mul3A_11, %mul3A_42 : vector<16xi32>
      %add3A_44 = arith.addi %add3A_43, %get3A_29 : vector<16xi32>
      tpu.vector_store_idx %arg10[%add3A_44], %broadcast_in_dim3A_13 masked %ne3A_39 {add = true} : memref<54272xf32, #tpu.memory_space<vmem>>[vector<16xi32>], vector<16xf32>, vector<16xi1>
      %add3A_45 = arith.constant 3264 : i32
      %add3A_46 = vector.broadcast %add3A_45 : i32 to vector<16xi32>
      %add3A_47 = arith.addi %mul3A_11, %add3A_46 : vector<16xi32>
      %add3A_48 = arith.addi %add3A_47, %get3A_29 : vector<16xi32>
      tpu.vector_store_idx %arg10[%add3A_48], %get3A_37 masked %ne3A_39 {add = true} : memref<54272xf32, #tpu.memory_space<vmem>>[vector<16xi32>], vector<16xf32>, vector<16xi1>
      %add3A_49 = arith.constant 64 : i32
      %add3A_50 = vector.broadcast %add3A_49 : i32 to vector<16xi32>
      %add3A_51 = arith.addi %add3A_48, %add3A_50 : vector<16xi32>
      tpu.vector_store_idx %arg10[%add3A_51], %broadcast_in_dim3A_13 masked %ne3A_39 {add = true} : memref<54272xf32, #tpu.memory_space<vmem>>[vector<16xi32>], vector<16xf32>, vector<16xi1>
    }
    %scan3A_19 = arith.constant 32 : i32
    %scan3A_20 = arith.constant 0 : i32
    %scan3A_21 = arith.constant 0 : i32
    %scan3A_22 = arith.constant 53 : i32
    %scan3A_23 = arith.addi %scan3A_21, %scan3A_22 : i32
    %scan3A_24 = arith.constant 1 : i32
    scf.for %scan3A_26 = %scan3A_21 to %scan3A_23 step %scan3A_24  : i32 {
      %mul3A_27 = arith.constant 64 : i32
      %mul3A_28 = arith.muli %scan3A_26, %mul3A_27 : i32
      %add3A_29 = arith.constant 0 : i32
      %add3A_30 = arith.addi %mul3A_28, %add3A_29 : i32
      %get3A = arith.index_cast %add3A_30 : i32 to index
      %get3A_31 = tpu.vector_load %arg10[%get3A] {strides = array<i32>} : memref<54272xf32, #tpu.memory_space<vmem>>, vector<16xf32>,
      %mul3A_32 = arith.constant 64 : i32
      %mul3A_33 = arith.muli %scan3A_26, %mul3A_32 : i32
      %add3A_34 = arith.constant 3392 : i32
      %add3A_35 = arith.addi %add3A_34, %mul3A_33 : i32
      %add3A_36 = arith.constant 0 : i32
      %add3A_37 = arith.addi %add3A_35, %add3A_36 : i32
      %get3A_38 = arith.index_cast %add3A_37 : i32 to index
      %get3A_39 = tpu.vector_load %arg10[%get3A_38] {strides = array<i32>} : memref<54272xf32, #tpu.memory_space<vmem>>, vector<16xf32>,
      %add3A_40 = arith.addf %get3A_31, %get3A_39 : vector<16xf32>
      %mul3A_41 = arith.constant 64 : i32
      %mul3A_42 = arith.muli %scan3A_26, %mul3A_41 : i32
      %add3A_43 = arith.constant 6784 : i32
      %add3A_44 = arith.addi %add3A_43, %mul3A_42 : i32
      %add3A_45 = arith.constant 0 : i32
      %add3A_46 = arith.addi %add3A_44, %add3A_45 : i32
      %get3A_47 = arith.index_cast %add3A_46 : i32 to index
      %get3A_48 = tpu.vector_load %arg10[%get3A_47] {strides = array<i32>} : memref<54272xf32, #tpu.memory_space<vmem>>, vector<16xf32>,
      %add3A_49 = arith.addf %add3A_40, %get3A_48 : vector<16xf32>
      %mul3A_50 = arith.constant 64 : i32
      %mul3A_51 = arith.muli %scan3A_26, %mul3A_50 : i32
      %add3A_52 = arith.constant 10176 : i32
      %add3A_53 = arith.addi %add3A_52, %mul3A_51 : i32
      %add3A_54 = arith.constant 0 : i32
      %add3A_55 = arith.addi %add3A_53, %add3A_54 : i32
      %get3A_56 = arith.index_cast %add3A_55 : i32 to index
      %get3A_57 = tpu.vector_load %arg10[%get3A_56] {strides = array<i32>} : memref<54272xf32, #tpu.memory_space<vmem>>, vector<16xf32>,
      %add3A_58 = arith.addf %add3A_49, %get3A_57 : vector<16xf32>
      %mul3A_59 = arith.constant 64 : i32
      %mul3A_60 = arith.muli %scan3A_26, %mul3A_59 : i32
      %add3A_61 = arith.constant 13568 : i32
      %add3A_62 = arith.addi %add3A_61, %mul3A_60 : i32
      %add3A_63 = arith.constant 0 : i32
      %add3A_64 = arith.addi %add3A_62, %add3A_63 : i32
      %get3A_65 = arith.index_cast %add3A_64 : i32 to index
      %get3A_66 = tpu.vector_load %arg10[%get3A_65] {strides = array<i32>} : memref<54272xf32, #tpu.memory_space<vmem>>, vector<16xf32>,
      %add3A_67 = arith.addf %add3A_58, %get3A_66 : vector<16xf32>
      %mul3A_68 = arith.constant 64 : i32
      %mul3A_69 = arith.muli %scan3A_26, %mul3A_68 : i32
      %add3A_70 = arith.constant 16960 : i32
      %add3A_71 = arith.addi %add3A_70, %mul3A_69 : i32
      %add3A_72 = arith.constant 0 : i32
      %add3A_73 = arith.addi %add3A_71, %add3A_72 : i32
      %get3A_74 = arith.index_cast %add3A_73 : i32 to index
      %get3A_75 = tpu.vector_load %arg10[%get3A_74] {strides = array<i32>} : memref<54272xf32, #tpu.memory_space<vmem>>, vector<16xf32>,
      %add3A_76 = arith.addf %add3A_67, %get3A_75 : vector<16xf32>
      %mul3A_77 = arith.constant 64 : i32
      %mul3A_78 = arith.muli %scan3A_26, %mul3A_77 : i32
      %add3A_79 = arith.constant 20352 : i32
      %add3A_80 = arith.addi %add3A_79, %mul3A_78 : i32
      %add3A_81 = arith.constant 0 : i32
      %add3A_82 = arith.addi %add3A_80, %add3A_81 : i32
      %get3A_83 = arith.index_cast %add3A_82 : i32 to index
      %get3A_84 = tpu.vector_load %arg10[%get3A_83] {strides = array<i32>} : memref<54272xf32, #tpu.memory_space<vmem>>, vector<16xf32>,
      %add3A_85 = arith.addf %add3A_76, %get3A_84 : vector<16xf32>
      %mul3A_86 = arith.constant 64 : i32
      %mul3A_87 = arith.muli %scan3A_26, %mul3A_86 : i32
      %add3A_88 = arith.constant 23744 : i32
      %add3A_89 = arith.addi %add3A_88, %mul3A_87 : i32
      %add3A_90 = arith.constant 0 : i32
      %add3A_91 = arith.addi %add3A_89, %add3A_90 : i32
      %get3A_92 = arith.index_cast %add3A_91 : i32 to index
      %get3A_93 = tpu.vector_load %arg10[%get3A_92] {strides = array<i32>} : memref<54272xf32, #tpu.memory_space<vmem>>, vector<16xf32>,
      %add3A_94 = arith.addf %add3A_85, %get3A_93 : vector<16xf32>
      %mul3A_95 = arith.constant 64 : i32
      %mul3A_96 = arith.muli %scan3A_26, %mul3A_95 : i32
      %add3A_97 = arith.constant 27136 : i32
      %add3A_98 = arith.addi %add3A_97, %mul3A_96 : i32
      %add3A_99 = arith.constant 0 : i32
      %add3A_100 = arith.addi %add3A_98, %add3A_99 : i32
      %get3A_101 = arith.index_cast %add3A_100 : i32 to index
      %get3A_102 = tpu.vector_load %arg10[%get3A_101] {strides = array<i32>} : memref<54272xf32, #tpu.memory_space<vmem>>, vector<16xf32>,
      %add3A_103 = arith.addf %add3A_94, %get3A_102 : vector<16xf32>
      %mul3A_104 = arith.constant 64 : i32
      %mul3A_105 = arith.muli %scan3A_26, %mul3A_104 : i32
      %add3A_106 = arith.constant 30528 : i32
      %add3A_107 = arith.addi %add3A_106, %mul3A_105 : i32
      %add3A_108 = arith.constant 0 : i32
      %add3A_109 = arith.addi %add3A_107, %add3A_108 : i32
      %get3A_110 = arith.index_cast %add3A_109 : i32 to index
      %get3A_111 = tpu.vector_load %arg10[%get3A_110] {strides = array<i32>} : memref<54272xf32, #tpu.memory_space<vmem>>, vector<16xf32>,
      %add3A_112 = arith.addf %add3A_103, %get3A_111 : vector<16xf32>
      %mul3A_113 = arith.constant 64 : i32
      %mul3A_114 = arith.muli %scan3A_26, %mul3A_113 : i32
      %add3A_115 = arith.constant 33920 : i32
      %add3A_116 = arith.addi %add3A_115, %mul3A_114 : i32
      %add3A_117 = arith.constant 0 : i32
      %add3A_118 = arith.addi %add3A_116, %add3A_117 : i32
      %get3A_119 = arith.index_cast %add3A_118 : i32 to index
      %get3A_120 = tpu.vector_load %arg10[%get3A_119] {strides = array<i32>} : memref<54272xf32, #tpu.memory_space<vmem>>, vector<16xf32>,
      %add3A_121 = arith.addf %add3A_112, %get3A_120 : vector<16xf32>
      %mul3A_122 = arith.constant 64 : i32
      %mul3A_123 = arith.muli %scan3A_26, %mul3A_122 : i32
      %add3A_124 = arith.constant 37312 : i32
      %add3A_125 = arith.addi %add3A_124, %mul3A_123 : i32
      %add3A_126 = arith.constant 0 : i32
      %add3A_127 = arith.addi %add3A_125, %add3A_126 : i32
      %get3A_128 = arith.index_cast %add3A_127 : i32 to index
      %get3A_129 = tpu.vector_load %arg10[%get3A_128] {strides = array<i32>} : memref<54272xf32, #tpu.memory_space<vmem>>, vector<16xf32>,
      %add3A_130 = arith.addf %add3A_121, %get3A_129 : vector<16xf32>
      %mul3A_131 = arith.constant 64 : i32
      %mul3A_132 = arith.muli %scan3A_26, %mul3A_131 : i32
      %add3A_133 = arith.constant 40704 : i32
      %add3A_134 = arith.addi %add3A_133, %mul3A_132 : i32
      %add3A_135 = arith.constant 0 : i32
      %add3A_136 = arith.addi %add3A_134, %add3A_135 : i32
      %get3A_137 = arith.index_cast %add3A_136 : i32 to index
      %get3A_138 = tpu.vector_load %arg10[%get3A_137] {strides = array<i32>} : memref<54272xf32, #tpu.memory_space<vmem>>, vector<16xf32>,
      %add3A_139 = arith.addf %add3A_130, %get3A_138 : vector<16xf32>
      %mul3A_140 = arith.constant 64 : i32
      %mul3A_141 = arith.muli %scan3A_26, %mul3A_140 : i32
      %add3A_142 = arith.constant 44096 : i32
      %add3A_143 = arith.addi %add3A_142, %mul3A_141 : i32
      %add3A_144 = arith.constant 0 : i32
      %add3A_145 = arith.addi %add3A_143, %add3A_144 : i32
      %get3A_146 = arith.index_cast %add3A_145 : i32 to index
      %get3A_147 = tpu.vector_load %arg10[%get3A_146] {strides = array<i32>} : memref<54272xf32, #tpu.memory_space<vmem>>, vector<16xf32>,
      %add3A_148 = arith.addf %add3A_139, %get3A_147 : vector<16xf32>
      %mul3A_149 = arith.constant 64 : i32
      %mul3A_150 = arith.muli %scan3A_26, %mul3A_149 : i32
      %add3A_151 = arith.constant 47488 : i32
      %add3A_152 = arith.addi %add3A_151, %mul3A_150 : i32
      %add3A_153 = arith.constant 0 : i32
      %add3A_154 = arith.addi %add3A_152, %add3A_153 : i32
      %get3A_155 = arith.index_cast %add3A_154 : i32 to index
      %get3A_156 = tpu.vector_load %arg10[%get3A_155] {strides = array<i32>} : memref<54272xf32, #tpu.memory_space<vmem>>, vector<16xf32>,
      %add3A_157 = arith.addf %add3A_148, %get3A_156 : vector<16xf32>
      %mul3A_158 = arith.constant 64 : i32
      %mul3A_159 = arith.muli %scan3A_26, %mul3A_158 : i32
      %add3A_160 = arith.constant 50880 : i32
      %add3A_161 = arith.addi %add3A_160, %mul3A_159 : i32
      %add3A_162 = arith.constant 0 : i32
      %add3A_163 = arith.addi %add3A_161, %add3A_162 : i32
      %get3A_164 = arith.index_cast %add3A_163 : i32 to index
      %get3A_165 = tpu.vector_load %arg10[%get3A_164] {strides = array<i32>} : memref<54272xf32, #tpu.memory_space<vmem>>, vector<16xf32>,
      %add3A_166 = arith.addf %add3A_157, %get3A_165 : vector<16xf32>
      %swap3A = arith.index_cast %scan3A_26 : i32 to index
      %swap3A_167 = arith.constant 0 : index
      %swap3A_168 = tpu.vector_load %arg11[%swap3A, %swap3A_167] {strides = array<i32>} : memref<53x64xf32, #tpu.memory_space<vmem>>, vector<16xf32>,
      tpu.vector_store %arg11[%swap3A, %swap3A_167], %add3A_166 {strides = array<i32>} : memref<53x64xf32, #tpu.memory_space<vmem>>, vector<16xf32>,
      %mul3A_169 = arith.constant 64 : i32
      %mul3A_170 = arith.muli %scan3A_26, %mul3A_169 : i32
      %add3A_171 = arith.constant 16 : i32
      %add3A_172 = arith.addi %mul3A_170, %add3A_171 : i32
      %get3A_173 = arith.index_cast %add3A_172 : i32 to index
      %get3A_174 = tpu.vector_load %arg10[%get3A_173] {strides = array<i32>} : memref<54272xf32, #tpu.memory_space<vmem>>, vector<16xf32>,
      %mul3A_175 = arith.constant 64 : i32
      %mul3A_176 = arith.muli %scan3A_26, %mul3A_175 : i32
      %add3A_177 = arith.constant 3392 : i32
      %add3A_178 = arith.addi %add3A_177, %mul3A_176 : i32
      %add3A_179 = arith.constant 16 : i32
      %add3A_180 = arith.addi %add3A_178, %add3A_179 : i32
      %get3A_181 = arith.index_cast %add3A_180 : i32 to index
      %get3A_182 = tpu.vector_load %arg10[%get3A_181] {strides = array<i32>} : memref<54272xf32, #tpu.memory_space<vmem>>, vector<16xf32>,
      %add3A_183 = arith.addf %get3A_174, %get3A_182 : vector<16xf32>
      %mul3A_184 = arith.constant 64 : i32
      %mul3A_185 = arith.muli %scan3A_26, %mul3A_184 : i32
      %add3A_186 = arith.constant 6784 : i32
      %add3A_187 = arith.addi %add3A_186, %mul3A_185 : i32
      %add3A_188 = arith.constant 16 : i32
      %add3A_189 = arith.addi %add3A_187, %add3A_188 : i32
      %get3A_190 = arith.index_cast %add3A_189 : i32 to index
      %get3A_191 = tpu.vector_load %arg10[%get3A_190] {strides = array<i32>} : memref<54272xf32, #tpu.memory_space<vmem>>, vector<16xf32>,
      %add3A_192 = arith.addf %add3A_183, %get3A_191 : vector<16xf32>
      %mul3A_193 = arith.constant 64 : i32
      %mul3A_194 = arith.muli %scan3A_26, %mul3A_193 : i32
      %add3A_195 = arith.constant 10176 : i32
      %add3A_196 = arith.addi %add3A_195, %mul3A_194 : i32
      %add3A_197 = arith.constant 16 : i32
      %add3A_198 = arith.addi %add3A_196, %add3A_197 : i32
      %get3A_199 = arith.index_cast %add3A_198 : i32 to index
      %get3A_200 = tpu.vector_load %arg10[%get3A_199] {strides = array<i32>} : memref<54272xf32, #tpu.memory_space<vmem>>, vector<16xf32>,
      %add3A_201 = arith.addf %add3A_192, %get3A_200 : vector<16xf32>
      %mul3A_202 = arith.constant 64 : i32
      %mul3A_203 = arith.muli %scan3A_26, %mul3A_202 : i32
      %add3A_204 = arith.constant 13568 : i32
      %add3A_205 = arith.addi %add3A_204, %mul3A_203 : i32
      %add3A_206 = arith.constant 16 : i32
      %add3A_207 = arith.addi %add3A_205, %add3A_206 : i32
      %get3A_208 = arith.index_cast %add3A_207 : i32 to index
      %get3A_209 = tpu.vector_load %arg10[%get3A_208] {strides = array<i32>} : memref<54272xf32, #tpu.memory_space<vmem>>, vector<16xf32>,
      %add3A_210 = arith.addf %add3A_201, %get3A_209 : vector<16xf32>
      %mul3A_211 = arith.constant 64 : i32
      %mul3A_212 = arith.muli %scan3A_26, %mul3A_211 : i32
      %add3A_213 = arith.constant 16960 : i32
      %add3A_214 = arith.addi %add3A_213, %mul3A_212 : i32
      %add3A_215 = arith.constant 16 : i32
      %add3A_216 = arith.addi %add3A_214, %add3A_215 : i32
      %get3A_217 = arith.index_cast %add3A_216 : i32 to index
      %get3A_218 = tpu.vector_load %arg10[%get3A_217] {strides = array<i32>} : memref<54272xf32, #tpu.memory_space<vmem>>, vector<16xf32>,
      %add3A_219 = arith.addf %add3A_210, %get3A_218 : vector<16xf32>
      %mul3A_220 = arith.constant 64 : i32
      %mul3A_221 = arith.muli %scan3A_26, %mul3A_220 : i32
      %add3A_222 = arith.constant 20352 : i32
      %add3A_223 = arith.addi %add3A_222, %mul3A_221 : i32
      %add3A_224 = arith.constant 16 : i32
      %add3A_225 = arith.addi %add3A_223, %add3A_224 : i32
      %get3A_226 = arith.index_cast %add3A_225 : i32 to index
      %get3A_227 = tpu.vector_load %arg10[%get3A_226] {strides = array<i32>} : memref<54272xf32, #tpu.memory_space<vmem>>, vector<16xf32>,
      %add3A_228 = arith.addf %add3A_219, %get3A_227 : vector<16xf32>
      %mul3A_229 = arith.constant 64 : i32
      %mul3A_230 = arith.muli %scan3A_26, %mul3A_229 : i32
      %add3A_231 = arith.constant 23744 : i32
      %add3A_232 = arith.addi %add3A_231, %mul3A_230 : i32
      %add3A_233 = arith.constant 16 : i32
      %add3A_234 = arith.addi %add3A_232, %add3A_233 : i32
      %get3A_235 = arith.index_cast %add3A_234 : i32 to index
      %get3A_236 = tpu.vector_load %arg10[%get3A_235] {strides = array<i32>} : memref<54272xf32, #tpu.memory_space<vmem>>, vector<16xf32>,
      %add3A_237 = arith.addf %add3A_228, %get3A_236 : vector<16xf32>
      %mul3A_238 = arith.constant 64 : i32
      %mul3A_239 = arith.muli %scan3A_26, %mul3A_238 : i32
      %add3A_240 = arith.constant 27136 : i32
      %add3A_241 = arith.addi %add3A_240, %mul3A_239 : i32
      %add3A_242 = arith.constant 16 : i32
      %add3A_243 = arith.addi %add3A_241, %add3A_242 : i32
      %get3A_244 = arith.index_cast %add3A_243 : i32 to index
      %get3A_245 = tpu.vector_load %arg10[%get3A_244] {strides = array<i32>} : memref<54272xf32, #tpu.memory_space<vmem>>, vector<16xf32>,
      %add3A_246 = arith.addf %add3A_237, %get3A_245 : vector<16xf32>
      %mul3A_247 = arith.constant 64 : i32
      %mul3A_248 = arith.muli %scan3A_26, %mul3A_247 : i32
      %add3A_249 = arith.constant 30528 : i32
      %add3A_250 = arith.addi %add3A_249, %mul3A_248 : i32
      %add3A_251 = arith.constant 16 : i32
      %add3A_252 = arith.addi %add3A_250, %add3A_251 : i32
      %get3A_253 = arith.index_cast %add3A_252 : i32 to index
      %get3A_254 = tpu.vector_load %arg10[%get3A_253] {strides = array<i32>} : memref<54272xf32, #tpu.memory_space<vmem>>, vector<16xf32>,
      %add3A_255 = arith.addf %add3A_246, %get3A_254 : vector<16xf32>
      %mul3A_256 = arith.constant 64 : i32
      %mul3A_257 = arith.muli %scan3A_26, %mul3A_256 : i32
      %add3A_258 = arith.constant 33920 : i32
      %add3A_259 = arith.addi %add3A_258, %mul3A_257 : i32
      %add3A_260 = arith.constant 16 : i32
      %add3A_261 = arith.addi %add3A_259, %add3A_260 : i32
      %get3A_262 = arith.index_cast %add3A_261 : i32 to index
      %get3A_263 = tpu.vector_load %arg10[%get3A_262] {strides = array<i32>} : memref<54272xf32, #tpu.memory_space<vmem>>, vector<16xf32>,
      %add3A_264 = arith.addf %add3A_255, %get3A_263 : vector<16xf32>
      %mul3A_265 = arith.constant 64 : i32
      %mul3A_266 = arith.muli %scan3A_26, %mul3A_265 : i32
      %add3A_267 = arith.constant 37312 : i32
      %add3A_268 = arith.addi %add3A_267, %mul3A_266 : i32
      %add3A_269 = arith.constant 16 : i32
      %add3A_270 = arith.addi %add3A_268, %add3A_269 : i32
      %get3A_271 = arith.index_cast %add3A_270 : i32 to index
      %get3A_272 = tpu.vector_load %arg10[%get3A_271] {strides = array<i32>} : memref<54272xf32, #tpu.memory_space<vmem>>, vector<16xf32>,
      %add3A_273 = arith.addf %add3A_264, %get3A_272 : vector<16xf32>
      %mul3A_274 = arith.constant 64 : i32
      %mul3A_275 = arith.muli %scan3A_26, %mul3A_274 : i32
      %add3A_276 = arith.constant 40704 : i32
      %add3A_277 = arith.addi %add3A_276, %mul3A_275 : i32
      %add3A_278 = arith.constant 16 : i32
      %add3A_279 = arith.addi %add3A_277, %add3A_278 : i32
      %get3A_280 = arith.index_cast %add3A_279 : i32 to index
      %get3A_281 = tpu.vector_load %arg10[%get3A_280] {strides = array<i32>} : memref<54272xf32, #tpu.memory_space<vmem>>, vector<16xf32>,
      %add3A_282 = arith.addf %add3A_273, %get3A_281 : vector<16xf32>
      %mul3A_283 = arith.constant 64 : i32
      %mul3A_284 = arith.muli %scan3A_26, %mul3A_283 : i32
      %add3A_285 = arith.constant 44096 : i32
      %add3A_286 = arith.addi %add3A_285, %mul3A_284 : i32
      %add3A_287 = arith.constant 16 : i32
      %add3A_288 = arith.addi %add3A_286, %add3A_287 : i32
      %get3A_289 = arith.index_cast %add3A_288 : i32 to index
      %get3A_290 = tpu.vector_load %arg10[%get3A_289] {strides = array<i32>} : memref<54272xf32, #tpu.memory_space<vmem>>, vector<16xf32>,
      %add3A_291 = arith.addf %add3A_282, %get3A_290 : vector<16xf32>
      %mul3A_292 = arith.constant 64 : i32
      %mul3A_293 = arith.muli %scan3A_26, %mul3A_292 : i32
      %add3A_294 = arith.constant 47488 : i32
      %add3A_295 = arith.addi %add3A_294, %mul3A_293 : i32
      %add3A_296 = arith.constant 16 : i32
      %add3A_297 = arith.addi %add3A_295, %add3A_296 : i32
      %get3A_298 = arith.index_cast %add3A_297 : i32 to index
      %get3A_299 = tpu.vector_load %arg10[%get3A_298] {strides = array<i32>} : memref<54272xf32, #tpu.memory_space<vmem>>, vector<16xf32>,
      %add3A_300 = arith.addf %add3A_291, %get3A_299 : vector<16xf32>
      %mul3A_301 = arith.constant 64 : i32
      %mul3A_302 = arith.muli %scan3A_26, %mul3A_301 : i32
      %add3A_303 = arith.constant 50880 : i32
      %add3A_304 = arith.addi %add3A_303, %mul3A_302 : i32
      %add3A_305 = arith.constant 16 : i32
      %add3A_306 = arith.addi %add3A_304, %add3A_305 : i32
      %get3A_307 = arith.index_cast %add3A_306 : i32 to index
      %get3A_308 = tpu.vector_load %arg10[%get3A_307] {strides = array<i32>} : memref<54272xf32, #tpu.memory_space<vmem>>, vector<16xf32>,
      %add3A_309 = arith.addf %add3A_300, %get3A_308 : vector<16xf32>
      %swap3A_310 = arith.index_cast %scan3A_26 : i32 to index
      %swap3A_311 = arith.constant 16 : index
      %swap3A_312 = tpu.vector_load %arg11[%swap3A_310, %swap3A_311] {strides = array<i32>} : memref<53x64xf32, #tpu.memory_space<vmem>>, vector<16xf32>,
      tpu.vector_store %arg11[%swap3A_310, %swap3A_311], %add3A_309 {strides = array<i32>} : memref<53x64xf32, #tpu.memory_space<vmem>>, vector<16xf32>,
      %mul3A_313 = arith.constant 64 : i32
      %mul3A_314 = arith.muli %scan3A_26, %mul3A_313 : i32
      %add3A_315 = arith.constant 32 : i32
      %add3A_316 = arith.addi %mul3A_314, %add3A_315 : i32
      %get3A_317 = arith.index_cast %add3A_316 : i32 to index
      %get3A_318 = tpu.vector_load %arg10[%get3A_317] {strides = array<i32>} : memref<54272xf32, #tpu.memory_space<vmem>>, vector<16xf32>,
      %mul3A_319 = arith.constant 64 : i32
      %mul3A_320 = arith.muli %scan3A_26, %mul3A_319 : i32
      %add3A_321 = arith.constant 3392 : i32
      %add3A_322 = arith.addi %add3A_321, %mul3A_320 : i32
      %add3A_323 = arith.constant 32 : i32
      %add3A_324 = arith.addi %add3A_322, %add3A_323 : i32
      %get3A_325 = arith.index_cast %add3A_324 : i32 to index
      %get3A_326 = tpu.vector_load %arg10[%get3A_325] {strides = array<i32>} : memref<54272xf32, #tpu.memory_space<vmem>>, vector<16xf32>,
      %add3A_327 = arith.addf %get3A_318, %get3A_326 : vector<16xf32>
      %mul3A_328 = arith.constant 64 : i32
      %mul3A_329 = arith.muli %scan3A_26, %mul3A_328 : i32
      %add3A_330 = arith.constant 6784 : i32
      %add3A_331 = arith.addi %add3A_330, %mul3A_329 : i32
      %add3A_332 = arith.constant 32 : i32
      %add3A_333 = arith.addi %add3A_331, %add3A_332 : i32
      %get3A_334 = arith.index_cast %add3A_333 : i32 to index
      %get3A_335 = tpu.vector_load %arg10[%get3A_334] {strides = array<i32>} : memref<54272xf32, #tpu.memory_space<vmem>>, vector<16xf32>,
      %add3A_336 = arith.addf %add3A_327, %get3A_335 : vector<16xf32>
      %mul3A_337 = arith.constant 64 : i32
      %mul3A_338 = arith.muli %scan3A_26, %mul3A_337 : i32
      %add3A_339 = arith.constant 10176 : i32
      %add3A_340 = arith.addi %add3A_339, %mul3A_338 : i32
      %add3A_341 = arith.constant 32 : i32
      %add3A_342 = arith.addi %add3A_340, %add3A_341 : i32
      %get3A_343 = arith.index_cast %add3A_342 : i32 to index
      %get3A_344 = tpu.vector_load %arg10[%get3A_343] {strides = array<i32>} : memref<54272xf32, #tpu.memory_space<vmem>>, vector<16xf32>,
      %add3A_345 = arith.addf %add3A_336, %get3A_344 : vector<16xf32>
      %mul3A_346 = arith.constant 64 : i32
      %mul3A_347 = arith.muli %scan3A_26, %mul3A_346 : i32
      %add3A_348 = arith.constant 13568 : i32
      %add3A_349 = arith.addi %add3A_348, %mul3A_347 : i32
      %add3A_350 = arith.constant 32 : i32
      %add3A_351 = arith.addi %add3A_349, %add3A_350 : i32
      %get3A_352 = arith.index_cast %add3A_351 : i32 to index
      %get3A_353 = tpu.vector_load %arg10[%get3A_352] {strides = array<i32>} : memref<54272xf32, #tpu.memory_space<vmem>>, vector<16xf32>,
      %add3A_354 = arith.addf %add3A_345, %get3A_353 : vector<16xf32>
      %mul3A_355 = arith.constant 64 : i32
      %mul3A_356 = arith.muli %scan3A_26, %mul3A_355 : i32
      %add3A_357 = arith.constant 16960 : i32
      %add3A_358 = arith.addi %add3A_357, %mul3A_356 : i32
      %add3A_359 = arith.constant 32 : i32
      %add3A_360 = arith.addi %add3A_358, %add3A_359 : i32
      %get3A_361 = arith.index_cast %add3A_360 : i32 to index
      %get3A_362 = tpu.vector_load %arg10[%get3A_361] {strides = array<i32>} : memref<54272xf32, #tpu.memory_space<vmem>>, vector<16xf32>,
      %add3A_363 = arith.addf %add3A_354, %get3A_362 : vector<16xf32>
      %mul3A_364 = arith.constant 64 : i32
      %mul3A_365 = arith.muli %scan3A_26, %mul3A_364 : i32
      %add3A_366 = arith.constant 20352 : i32
      %add3A_367 = arith.addi %add3A_366, %mul3A_365 : i32
      %add3A_368 = arith.constant 32 : i32
      %add3A_369 = arith.addi %add3A_367, %add3A_368 : i32
      %get3A_370 = arith.index_cast %add3A_369 : i32 to index
      %get3A_371 = tpu.vector_load %arg10[%get3A_370] {strides = array<i32>} : memref<54272xf32, #tpu.memory_space<vmem>>, vector<16xf32>,
      %add3A_372 = arith.addf %add3A_363, %get3A_371 : vector<16xf32>
      %mul3A_373 = arith.constant 64 : i32
      %mul3A_374 = arith.muli %scan3A_26, %mul3A_373 : i32
      %add3A_375 = arith.constant 23744 : i32
      %add3A_376 = arith.addi %add3A_375, %mul3A_374 : i32
      %add3A_377 = arith.constant 32 : i32
      %add3A_378 = arith.addi %add3A_376, %add3A_377 : i32
      %get3A_379 = arith.index_cast %add3A_378 : i32 to index
      %get3A_380 = tpu.vector_load %arg10[%get3A_379] {strides = array<i32>} : memref<54272xf32, #tpu.memory_space<vmem>>, vector<16xf32>,
      %add3A_381 = arith.addf %add3A_372, %get3A_380 : vector<16xf32>
      %mul3A_382 = arith.constant 64 : i32
      %mul3A_383 = arith.muli %scan3A_26, %mul3A_382 : i32
      %add3A_384 = arith.constant 27136 : i32
      %add3A_385 = arith.addi %add3A_384, %mul3A_383 : i32
      %add3A_386 = arith.constant 32 : i32
      %add3A_387 = arith.addi %add3A_385, %add3A_386 : i32
      %get3A_388 = arith.index_cast %add3A_387 : i32 to index
      %get3A_389 = tpu.vector_load %arg10[%get3A_388] {strides = array<i32>} : memref<54272xf32, #tpu.memory_space<vmem>>, vector<16xf32>,
      %add3A_390 = arith.addf %add3A_381, %get3A_389 : vector<16xf32>
      %mul3A_391 = arith.constant 64 : i32
      %mul3A_392 = arith.muli %scan3A_26, %mul3A_391 : i32
      %add3A_393 = arith.constant 30528 : i32
      %add3A_394 = arith.addi %add3A_393, %mul3A_392 : i32
      %add3A_395 = arith.constant 32 : i32
      %add3A_396 = arith.addi %add3A_394, %add3A_395 : i32
      %get3A_397 = arith.index_cast %add3A_396 : i32 to index
      %get3A_398 = tpu.vector_load %arg10[%get3A_397] {strides = array<i32>} : memref<54272xf32, #tpu.memory_space<vmem>>, vector<16xf32>,
      %add3A_399 = arith.addf %add3A_390, %get3A_398 : vector<16xf32>
      %mul3A_400 = arith.constant 64 : i32
      %mul3A_401 = arith.muli %scan3A_26, %mul3A_400 : i32
      %add3A_402 = arith.constant 33920 : i32
      %add3A_403 = arith.addi %add3A_402, %mul3A_401 : i32
      %add3A_404 = arith.constant 32 : i32
      %add3A_405 = arith.addi %add3A_403, %add3A_404 : i32
      %get3A_406 = arith.index_cast %add3A_405 : i32 to index
      %get3A_407 = tpu.vector_load %arg10[%get3A_406] {strides = array<i32>} : memref<54272xf32, #tpu.memory_space<vmem>>, vector<16xf32>,
      %add3A_408 = arith.addf %add3A_399, %get3A_407 : vector<16xf32>
      %mul3A_409 = arith.constant 64 : i32
      %mul3A_410 = arith.muli %scan3A_26, %mul3A_409 : i32
      %add3A_411 = arith.constant 37312 : i32
      %add3A_412 = arith.addi %add3A_411, %mul3A_410 : i32
      %add3A_413 = arith.constant 32 : i32
      %add3A_414 = arith.addi %add3A_412, %add3A_413 : i32
      %get3A_415 = arith.index_cast %add3A_414 : i32 to index
      %get3A_416 = tpu.vector_load %arg10[%get3A_415] {strides = array<i32>} : memref<54272xf32, #tpu.memory_space<vmem>>, vector<16xf32>,
      %add3A_417 = arith.addf %add3A_408, %get3A_416 : vector<16xf32>
      %mul3A_418 = arith.constant 64 : i32
      %mul3A_419 = arith.muli %scan3A_26, %mul3A_418 : i32
      %add3A_420 = arith.constant 40704 : i32
      %add3A_421 = arith.addi %add3A_420, %mul3A_419 : i32
      %add3A_422 = arith.constant 32 : i32
      %add3A_423 = arith.addi %add3A_421, %add3A_422 : i32
      %get3A_424 = arith.index_cast %add3A_423 : i32 to index
      %get3A_425 = tpu.vector_load %arg10[%get3A_424] {strides = array<i32>} : memref<54272xf32, #tpu.memory_space<vmem>>, vector<16xf32>,
      %add3A_426 = arith.addf %add3A_417, %get3A_425 : vector<16xf32>
      %mul3A_427 = arith.constant 64 : i32
      %mul3A_428 = arith.muli %scan3A_26, %mul3A_427 : i32
      %add3A_429 = arith.constant 44096 : i32
      %add3A_430 = arith.addi %add3A_429, %mul3A_428 : i32
      %add3A_431 = arith.constant 32 : i32
      %add3A_432 = arith.addi %add3A_430, %add3A_431 : i32
      %get3A_433 = arith.index_cast %add3A_432 : i32 to index
      %get3A_434 = tpu.vector_load %arg10[%get3A_433] {strides = array<i32>} : memref<54272xf32, #tpu.memory_space<vmem>>, vector<16xf32>,
      %add3A_435 = arith.addf %add3A_426, %get3A_434 : vector<16xf32>
      %mul3A_436 = arith.constant 64 : i32
      %mul3A_437 = arith.muli %scan3A_26, %mul3A_436 : i32
      %add3A_438 = arith.constant 47488 : i32
      %add3A_439 = arith.addi %add3A_438, %mul3A_437 : i32
      %add3A_440 = arith.constant 32 : i32
      %add3A_441 = arith.addi %add3A_439, %add3A_440 : i32
      %get3A_442 = arith.index_cast %add3A_441 : i32 to index
      %get3A_443 = tpu.vector_load %arg10[%get3A_442] {strides = array<i32>} : memref<54272xf32, #tpu.memory_space<vmem>>, vector<16xf32>,
      %add3A_444 = arith.addf %add3A_435, %get3A_443 : vector<16xf32>
      %mul3A_445 = arith.constant 64 : i32
      %mul3A_446 = arith.muli %scan3A_26, %mul3A_445 : i32
      %add3A_447 = arith.constant 50880 : i32
      %add3A_448 = arith.addi %add3A_447, %mul3A_446 : i32
      %add3A_449 = arith.constant 32 : i32
      %add3A_450 = arith.addi %add3A_448, %add3A_449 : i32
      %get3A_451 = arith.index_cast %add3A_450 : i32 to index
      %get3A_452 = tpu.vector_load %arg10[%get3A_451] {strides = array<i32>} : memref<54272xf32, #tpu.memory_space<vmem>>, vector<16xf32>,
      %add3A_453 = arith.addf %add3A_444, %get3A_452 : vector<16xf32>
      %swap3A_454 = arith.index_cast %scan3A_26 : i32 to index
      %swap3A_455 = arith.constant 32 : index
      %swap3A_456 = tpu.vector_load %arg11[%swap3A_454, %swap3A_455] {strides = array<i32>} : memref<53x64xf32, #tpu.memory_space<vmem>>, vector<16xf32>,
      tpu.vector_store %arg11[%swap3A_454, %swap3A_455], %add3A_453 {strides = array<i32>} : memref<53x64xf32, #tpu.memory_space<vmem>>, vector<16xf32>,
      %mul3A_457 = arith.constant 64 : i32
      %mul3A_458 = arith.muli %scan3A_26, %mul3A_457 : i32
      %add3A_459 = arith.constant 48 : i32
      %add3A_460 = arith.addi %mul3A_458, %add3A_459 : i32
      %get3A_461 = arith.index_cast %add3A_460 : i32 to index
      %get3A_462 = tpu.vector_load %arg10[%get3A_461] {strides = array<i32>} : memref<54272xf32, #tpu.memory_space<vmem>>, vector<16xf32>,
      %mul3A_463 = arith.constant 64 : i32
      %mul3A_464 = arith.muli %scan3A_26, %mul3A_463 : i32
      %add3A_465 = arith.constant 3392 : i32
      %add3A_466 = arith.addi %add3A_465, %mul3A_464 : i32
      %add3A_467 = arith.constant 48 : i32
      %add3A_468 = arith.addi %add3A_466, %add3A_467 : i32
      %get3A_469 = arith.index_cast %add3A_468 : i32 to index
      %get3A_470 = tpu.vector_load %arg10[%get3A_469] {strides = array<i32>} : memref<54272xf32, #tpu.memory_space<vmem>>, vector<16xf32>,
      %add3A_471 = arith.addf %get3A_462, %get3A_470 : vector<16xf32>
      %mul3A_472 = arith.constant 64 : i32
      %mul3A_473 = arith.muli %scan3A_26, %mul3A_472 : i32
      %add3A_474 = arith.constant 6784 : i32
      %add3A_475 = arith.addi %add3A_474, %mul3A_473 : i32
      %add3A_476 = arith.constant 48 : i32
      %add3A_477 = arith.addi %add3A_475, %add3A_476 : i32
      %get3A_478 = arith.index_cast %add3A_477 : i32 to index
      %get3A_479 = tpu.vector_load %arg10[%get3A_478] {strides = array<i32>} : memref<54272xf32, #tpu.memory_space<vmem>>, vector<16xf32>,
      %add3A_480 = arith.addf %add3A_471, %get3A_479 : vector<16xf32>
      %mul3A_481 = arith.constant 64 : i32
      %mul3A_482 = arith.muli %scan3A_26, %mul3A_481 : i32
      %add3A_483 = arith.constant 10176 : i32
      %add3A_484 = arith.addi %add3A_483, %mul3A_482 : i32
      %add3A_485 = arith.constant 48 : i32
      %add3A_486 = arith.addi %add3A_484, %add3A_485 : i32
      %get3A_487 = arith.index_cast %add3A_486 : i32 to index
      %get3A_488 = tpu.vector_load %arg10[%get3A_487] {strides = array<i32>} : memref<54272xf32, #tpu.memory_space<vmem>>, vector<16xf32>,
      %add3A_489 = arith.addf %add3A_480, %get3A_488 : vector<16xf32>
      %mul3A_490 = arith.constant 64 : i32
      %mul3A_491 = arith.muli %scan3A_26, %mul3A_490 : i32
      %add3A_492 = arith.constant 13568 : i32
      %add3A_493 = arith.addi %add3A_492, %mul3A_491 : i32
      %add3A_494 = arith.constant 48 : i32
      %add3A_495 = arith.addi %add3A_493, %add3A_494 : i32
      %get3A_496 = arith.index_cast %add3A_495 : i32 to index
      %get3A_497 = tpu.vector_load %arg10[%get3A_496] {strides = array<i32>} : memref<54272xf32, #tpu.memory_space<vmem>>, vector<16xf32>,
      %add3A_498 = arith.addf %add3A_489, %get3A_497 : vector<16xf32>
      %mul3A_499 = arith.constant 64 : i32
      %mul3A_500 = arith.muli %scan3A_26, %mul3A_499 : i32
      %add3A_501 = arith.constant 16960 : i32
      %add3A_502 = arith.addi %add3A_501, %mul3A_500 : i32
      %add3A_503 = arith.constant 48 : i32
      %add3A_504 = arith.addi %add3A_502, %add3A_503 : i32
      %get3A_505 = arith.index_cast %add3A_504 : i32 to index
      %get3A_506 = tpu.vector_load %arg10[%get3A_505] {strides = array<i32>} : memref<54272xf32, #tpu.memory_space<vmem>>, vector<16xf32>,
      %add3A_507 = arith.addf %add3A_498, %get3A_506 : vector<16xf32>
      %mul3A_508 = arith.constant 64 : i32
      %mul3A_509 = arith.muli %scan3A_26, %mul3A_508 : i32
      %add3A_510 = arith.constant 20352 : i32
      %add3A_511 = arith.addi %add3A_510, %mul3A_509 : i32
      %add3A_512 = arith.constant 48 : i32
      %add3A_513 = arith.addi %add3A_511, %add3A_512 : i32
      %get3A_514 = arith.index_cast %add3A_513 : i32 to index
      %get3A_515 = tpu.vector_load %arg10[%get3A_514] {strides = array<i32>} : memref<54272xf32, #tpu.memory_space<vmem>>, vector<16xf32>,
      %add3A_516 = arith.addf %add3A_507, %get3A_515 : vector<16xf32>
      %mul3A_517 = arith.constant 64 : i32
      %mul3A_518 = arith.muli %scan3A_26, %mul3A_517 : i32
      %add3A_519 = arith.constant 23744 : i32
      %add3A_520 = arith.addi %add3A_519, %mul3A_518 : i32
      %add3A_521 = arith.constant 48 : i32
      %add3A_522 = arith.addi %add3A_520, %add3A_521 : i32
      %get3A_523 = arith.index_cast %add3A_522 : i32 to index
      %get3A_524 = tpu.vector_load %arg10[%get3A_523] {strides = array<i32>} : memref<54272xf32, #tpu.memory_space<vmem>>, vector<16xf32>,
      %add3A_525 = arith.addf %add3A_516, %get3A_524 : vector<16xf32>
      %mul3A_526 = arith.constant 64 : i32
      %mul3A_527 = arith.muli %scan3A_26, %mul3A_526 : i32
      %add3A_528 = arith.constant 27136 : i32
      %add3A_529 = arith.addi %add3A_528, %mul3A_527 : i32
      %add3A_530 = arith.constant 48 : i32
      %add3A_531 = arith.addi %add3A_529, %add3A_530 : i32
      %get3A_532 = arith.index_cast %add3A_531 : i32 to index
      %get3A_533 = tpu.vector_load %arg10[%get3A_532] {strides = array<i32>} : memref<54272xf32, #tpu.memory_space<vmem>>, vector<16xf32>,
      %add3A_534 = arith.addf %add3A_525, %get3A_533 : vector<16xf32>
      %mul3A_535 = arith.constant 64 : i32
      %mul3A_536 = arith.muli %scan3A_26, %mul3A_535 : i32
      %add3A_537 = arith.constant 30528 : i32
      %add3A_538 = arith.addi %add3A_537, %mul3A_536 : i32
      %add3A_539 = arith.constant 48 : i32
      %add3A_540 = arith.addi %add3A_538, %add3A_539 : i32
      %get3A_541 = arith.index_cast %add3A_540 : i32 to index
      %get3A_542 = tpu.vector_load %arg10[%get3A_541] {strides = array<i32>} : memref<54272xf32, #tpu.memory_space<vmem>>, vector<16xf32>,
      %add3A_543 = arith.addf %add3A_534, %get3A_542 : vector<16xf32>
      %mul3A_544 = arith.constant 64 : i32
      %mul3A_545 = arith.muli %scan3A_26, %mul3A_544 : i32
      %add3A_546 = arith.constant 33920 : i32
      %add3A_547 = arith.addi %add3A_546, %mul3A_545 : i32
      %add3A_548 = arith.constant 48 : i32
      %add3A_549 = arith.addi %add3A_547, %add3A_548 : i32
      %get3A_550 = arith.index_cast %add3A_549 : i32 to index
      %get3A_551 = tpu.vector_load %arg10[%get3A_550] {strides = array<i32>} : memref<54272xf32, #tpu.memory_space<vmem>>, vector<16xf32>,
      %add3A_552 = arith.addf %add3A_543, %get3A_551 : vector<16xf32>
      %mul3A_553 = arith.constant 64 : i32
      %mul3A_554 = arith.muli %scan3A_26, %mul3A_553 : i32
      %add3A_555 = arith.constant 37312 : i32
      %add3A_556 = arith.addi %add3A_555, %mul3A_554 : i32
      %add3A_557 = arith.constant 48 : i32
      %add3A_558 = arith.addi %add3A_556, %add3A_557 : i32
      %get3A_559 = arith.index_cast %add3A_558 : i32 to index
      %get3A_560 = tpu.vector_load %arg10[%get3A_559] {strides = array<i32>} : memref<54272xf32, #tpu.memory_space<vmem>>, vector<16xf32>,
      %add3A_561 = arith.addf %add3A_552, %get3A_560 : vector<16xf32>
      %mul3A_562 = arith.constant 64 : i32
      %mul3A_563 = arith.muli %scan3A_26, %mul3A_562 : i32
      %add3A_564 = arith.constant 40704 : i32
      %add3A_565 = arith.addi %add3A_564, %mul3A_563 : i32
      %add3A_566 = arith.constant 48 : i32
      %add3A_567 = arith.addi %add3A_565, %add3A_566 : i32
      %get3A_568 = arith.index_cast %add3A_567 : i32 to index
      %get3A_569 = tpu.vector_load %arg10[%get3A_568] {strides = array<i32>} : memref<54272xf32, #tpu.memory_space<vmem>>, vector<16xf32>,
      %add3A_570 = arith.addf %add3A_561, %get3A_569 : vector<16xf32>
      %mul3A_571 = arith.constant 64 : i32
      %mul3A_572 = arith.muli %scan3A_26, %mul3A_571 : i32
      %add3A_573 = arith.constant 44096 : i32
      %add3A_574 = arith.addi %add3A_573, %mul3A_572 : i32
      %add3A_575 = arith.constant 48 : i32
      %add3A_576 = arith.addi %add3A_574, %add3A_575 : i32
      %get3A_577 = arith.index_cast %add3A_576 : i32 to index
      %get3A_578 = tpu.vector_load %arg10[%get3A_577] {strides = array<i32>} : memref<54272xf32, #tpu.memory_space<vmem>>, vector<16xf32>,
      %add3A_579 = arith.addf %add3A_570, %get3A_578 : vector<16xf32>
      %mul3A_580 = arith.constant 64 : i32
      %mul3A_581 = arith.muli %scan3A_26, %mul3A_580 : i32
      %add3A_582 = arith.constant 47488 : i32
      %add3A_583 = arith.addi %add3A_582, %mul3A_581 : i32
      %add3A_584 = arith.constant 48 : i32
      %add3A_585 = arith.addi %add3A_583, %add3A_584 : i32
      %get3A_586 = arith.index_cast %add3A_585 : i32 to index
      %get3A_587 = tpu.vector_load %arg10[%get3A_586] {strides = array<i32>} : memref<54272xf32, #tpu.memory_space<vmem>>, vector<16xf32>,
      %add3A_588 = arith.addf %add3A_579, %get3A_587 : vector<16xf32>
      %mul3A_589 = arith.constant 64 : i32
      %mul3A_590 = arith.muli %scan3A_26, %mul3A_589 : i32
      %add3A_591 = arith.constant 50880 : i32
      %add3A_592 = arith.addi %add3A_591, %mul3A_590 : i32
      %add3A_593 = arith.constant 48 : i32
      %add3A_594 = arith.addi %add3A_592, %add3A_593 : i32
      %get3A_595 = arith.index_cast %add3A_594 : i32 to index
      %get3A_596 = tpu.vector_load %arg10[%get3A_595] {strides = array<i32>} : memref<54272xf32, #tpu.memory_space<vmem>>, vector<16xf32>,
      %add3A_597 = arith.addf %add3A_588, %get3A_596 : vector<16xf32>
      %swap3A_598 = arith.index_cast %scan3A_26 : i32 to index
      %swap3A_599 = arith.constant 48 : index
      %swap3A_600 = tpu.vector_load %arg11[%swap3A_598, %swap3A_599] {strides = array<i32>} : memref<53x64xf32, #tpu.memory_space<vmem>>, vector<16xf32>,
      tpu.vector_store %arg11[%swap3A_598, %swap3A_599], %add3A_597 {strides = array<i32>} : memref<53x64xf32, #tpu.memory_space<vmem>>, vector<16xf32>,
    }
    %scan3A_25 = arith.constant 53 : i32
    "tpu.region"() ({
      %run_scoped3A = tpu.sem_alloc : memref<!tpu.dma_semaphore, #tpu.memory_space<semaphore_mem>>
      %dma_start3A = arith.constant 0 : i32
      %dma_start3A_26 = arith.constant 0 : i32
      %dma_start3A_27 = tpu.memref_slice %arg11[%dma_start3A, %dma_start3A_26] : memref<53x64xf32, #tpu.memory_space<vmem>> -> memref<51x64xf32, #tpu.memory_space<vmem>>
      %dma_start3A_28 = arith.constant 0 : i32
      %dma_start3A_29 = arith.constant 0 : i32
      %dma_start3A_30 = tpu.memref_slice %arg5[%add3A, %dma_start3A_28, %dma_start3A_29] : memref<32x51x64xf32, #tpu.memory_space<hbm>> -> memref<1x51x64xf32, #tpu.memory_space<hbm>>
      %dma_start3A_31 = tpu.memref_squeeze %dma_start3A_30 : memref<1x51x64xf32, #tpu.memory_space<hbm>> -> memref<51x64xf32, #tpu.memory_space<hbm>>
      %dma_start3A_32 = arith.constant 0 : i32
      %dma_start3A_33 = arith.constant 0 : i32
      %dma_start3A_34 = tpu.memref_slice %arg5[%add3A, %dma_start3A_32, %dma_start3A_33] : memref<32x51x64xf32, #tpu.memory_space<hbm>> -> memref<1x51x64xf32, #tpu.memory_space<hbm>>
      %dma_start3A_35 = tpu.memref_squeeze %dma_start3A_34 : memref<1x51x64xf32, #tpu.memory_space<hbm>> -> memref<51x64xf32, #tpu.memory_space<hbm>>
      %dma_start3A_36 = arith.constant 0 : i32
      %dma_start3A_37 = arith.constant 0 : i32
      %dma_start3A_38 = tpu.memref_slice %arg11[%dma_start3A_36, %dma_start3A_37] : memref<53x64xf32, #tpu.memory_space<vmem>> -> memref<51x64xf32, #tpu.memory_space<vmem>>
      tpu.enqueue_dma source(%dma_start3A_38 : memref<51x64xf32, #tpu.memory_space<vmem>>) target(%dma_start3A_35 : memref<51x64xf32, #tpu.memory_space<hbm>>) target_semaphore(%run_scoped3A : memref<!tpu.dma_semaphore, #tpu.memory_space<semaphore_mem>>)
      %dma_wait3A = arith.constant 0 : i32
      %dma_wait3A_39 = arith.constant 0 : i32
      %dma_wait3A_40 = tpu.memref_slice %arg11[%dma_wait3A, %dma_wait3A_39] : memref<53x64xf32, #tpu.memory_space<vmem>> -> memref<51x64xf32, #tpu.memory_space<vmem>>
      %dma_wait3A_41 = arith.constant 0 : i32
      %dma_wait3A_42 = arith.constant 0 : i32
      %dma_wait3A_43 = tpu.memref_slice %arg5[%add3A, %dma_wait3A_41, %dma_wait3A_42] : memref<32x51x64xf32, #tpu.memory_space<hbm>> -> memref<1x51x64xf32, #tpu.memory_space<hbm>>
      %dma_wait3A_44 = tpu.memref_squeeze %dma_wait3A_43 : memref<1x51x64xf32, #tpu.memory_space<hbm>> -> memref<51x64xf32, #tpu.memory_space<hbm>>
      %dma_wait3A_45 = arith.constant 0 : i32
      %dma_wait3A_46 = arith.constant 0 : i32
      %dma_wait3A_47 = tpu.memref_slice %arg5[%add3A, %dma_wait3A_45, %dma_wait3A_46] : memref<32x51x64xf32, #tpu.memory_space<hbm>> -> memref<1x51x64xf32, #tpu.memory_space<hbm>>
      %dma_wait3A_48 = tpu.memref_squeeze %dma_wait3A_47 : memref<1x51x64xf32, #tpu.memory_space<hbm>> -> memref<51x64xf32, #tpu.memory_space<hbm>>
      %dma_wait3A_49 = arith.constant 0 : i32
      %dma_wait3A_50 = arith.constant 0 : i32
      %dma_wait3A_51 = tpu.memref_slice %arg11[%dma_wait3A_49, %dma_wait3A_50] : memref<53x64xf32, #tpu.memory_space<vmem>> -> memref<51x64xf32, #tpu.memory_space<vmem>>
      tpu.wait_dma2 semaphore(%run_scoped3A : memref<!tpu.dma_semaphore, #tpu.memory_space<semaphore_mem>>) src(%dma_wait3A_51 : memref<51x64xf32, #tpu.memory_space<vmem>>) dst(%dma_wait3A_48 : memref<51x64xf32, #tpu.memory_space<hbm>>)
      tpu.yield
    }) : () -> ()
    "tpu.region"() ({
      %run_scoped3A = tpu.sem_alloc : memref<!tpu.dma_semaphore, #tpu.memory_space<semaphore_mem>>
      %dma_start3A = arith.constant 51 : i32
      %dma_start3A_26 = arith.constant 0 : i32
      %dma_start3A_27 = tpu.memref_slice %arg11[%dma_start3A, %dma_start3A_26] : memref<53x64xf32, #tpu.memory_space<vmem>> -> memref<2x64xf32, #tpu.memory_space<vmem>>
      %dma_start3A_28 = arith.constant 0 : i32
      %dma_start3A_29 = arith.constant 0 : i32
      %dma_start3A_30 = tpu.memref_slice %arg6[%add3A, %dma_start3A_28, %dma_start3A_29] : memref<32x2x64xf32, #tpu.memory_space<hbm>> -> memref<1x2x64xf32, #tpu.memory_space<hbm>>
      %dma_start3A_31 = tpu.memref_squeeze %dma_start3A_30 : memref<1x2x64xf32, #tpu.memory_space<hbm>> -> memref<2x64xf32, #tpu.memory_space<hbm>>
      %dma_start3A_32 = arith.constant 0 : i32
      %dma_start3A_33 = arith.constant 0 : i32
      %dma_start3A_34 = tpu.memref_slice %arg6[%add3A, %dma_start3A_32, %dma_start3A_33] : memref<32x2x64xf32, #tpu.memory_space<hbm>> -> memref<1x2x64xf32, #tpu.memory_space<hbm>>
      %dma_start3A_35 = tpu.memref_squeeze %dma_start3A_34 : memref<1x2x64xf32, #tpu.memory_space<hbm>> -> memref<2x64xf32, #tpu.memory_space<hbm>>
      %dma_start3A_36 = arith.constant 51 : i32
      %dma_start3A_37 = arith.constant 0 : i32
      %dma_start3A_38 = tpu.memref_slice %arg11[%dma_start3A_36, %dma_start3A_37] : memref<53x64xf32, #tpu.memory_space<vmem>> -> memref<2x64xf32, #tpu.memory_space<vmem>>
      tpu.enqueue_dma source(%dma_start3A_38 : memref<2x64xf32, #tpu.memory_space<vmem>>) target(%dma_start3A_35 : memref<2x64xf32, #tpu.memory_space<hbm>>) target_semaphore(%run_scoped3A : memref<!tpu.dma_semaphore, #tpu.memory_space<semaphore_mem>>)
      %dma_wait3A = arith.constant 51 : i32
      %dma_wait3A_39 = arith.constant 0 : i32
      %dma_wait3A_40 = tpu.memref_slice %arg11[%dma_wait3A, %dma_wait3A_39] : memref<53x64xf32, #tpu.memory_space<vmem>> -> memref<2x64xf32, #tpu.memory_space<vmem>>
      %dma_wait3A_41 = arith.constant 0 : i32
      %dma_wait3A_42 = arith.constant 0 : i32
      %dma_wait3A_43 = tpu.memref_slice %arg6[%add3A, %dma_wait3A_41, %dma_wait3A_42] : memref<32x2x64xf32, #tpu.memory_space<hbm>> -> memref<1x2x64xf32, #tpu.memory_space<hbm>>
      %dma_wait3A_44 = tpu.memref_squeeze %dma_wait3A_43 : memref<1x2x64xf32, #tpu.memory_space<hbm>> -> memref<2x64xf32, #tpu.memory_space<hbm>>
      %dma_wait3A_45 = arith.constant 0 : i32
      %dma_wait3A_46 = arith.constant 0 : i32
      %dma_wait3A_47 = tpu.memref_slice %arg6[%add3A, %dma_wait3A_45, %dma_wait3A_46] : memref<32x2x64xf32, #tpu.memory_space<hbm>> -> memref<1x2x64xf32, #tpu.memory_space<hbm>>
      %dma_wait3A_48 = tpu.memref_squeeze %dma_wait3A_47 : memref<1x2x64xf32, #tpu.memory_space<hbm>> -> memref<2x64xf32, #tpu.memory_space<hbm>>
      %dma_wait3A_49 = arith.constant 51 : i32
      %dma_wait3A_50 = arith.constant 0 : i32
      %dma_wait3A_51 = tpu.memref_slice %arg11[%dma_wait3A_49, %dma_wait3A_50] : memref<53x64xf32, #tpu.memory_space<vmem>> -> memref<2x64xf32, #tpu.memory_space<vmem>>
      tpu.wait_dma2 semaphore(%run_scoped3A : memref<!tpu.dma_semaphore, #tpu.memory_space<semaphore_mem>>) src(%dma_wait3A_51 : memref<2x64xf32, #tpu.memory_space<vmem>>) dst(%dma_wait3A_48 : memref<2x64xf32, #tpu.memory_space<hbm>>)
      tpu.yield
    }) : () -> ()
    return
  }
}

module attributes {stable_mosaic.version = 14 : i64} {
  func.func @_tca_kernel(%arg0: i32, %arg1: memref<51x8192xf32, #tpu.memory_space<vmem>>, %arg2: memref<1x1x8192xi32, #tpu.memory_space<vmem>>, %arg3: memref<51x8192xf32, #tpu.memory_space<vmem>>, %arg4: memref<1x1x8192xi32, #tpu.memory_space<vmem>>, %arg5: memref<1x1x8192xf32, #tpu.memory_space<vmem>>) attributes {dimension_semantics = [#tpu.dimension_semantics<arbitrary>], iteration_bounds = array<i64: 2>, scalar_prefetch = 0 : i64, scratch_operands = 0 : i64, tpu.core_type = #tpu.core_type<tc>, window_params = [{transform_indices = @transform_0, window_bounds = array<i64: 51, 8192>}, {transform_indices = @transform_1, window_bounds = array<i64: 1, 1, 8192>}, {transform_indices = @transform_2, window_bounds = array<i64: 51, 8192>}, {transform_indices = @transform_3, window_bounds = array<i64: 1, 1, 8192>}, {transform_indices = @transform_4, window_bounds = array<i64: 1, 1, 8192>}]} {
    %get3A = arith.constant 0 : index
    %get3A_0 = arith.constant 0 : index
    %get3A_1 = vector.load %arg1[%get3A, %get3A_0] : memref<51x8192xf32, #tpu.memory_space<vmem>>, vector<51x8192xf32>
    %get3A_2 = arith.constant 0 : index
    %get3A_3 = arith.constant 0 : index
    %get3A_4 = arith.constant 0 : index
    %get3A_5 = vector.load %arg2[%get3A_2, %get3A_3, %get3A_4] : memref<1x1x8192xi32, #tpu.memory_space<vmem>>, vector<1x1x8192xi32>
    %get3A_6 = vector.shape_cast %get3A_5 : vector<1x1x8192xi32> to vector<1x8192xi32>
    %iota3A = tpu.iota {dimensions = array<i32: 0>} : vector<51x8192xi32>
    %ge3A = arith.constant 1 : i32
    %ge3A_7 = vector.broadcast %ge3A : i32 to vector<51x8192xi32>
    %ge3A_8 = arith.cmpi sge, %iota3A, %ge3A_7 : vector<51x8192xi32>
    %jit3A = arith.constant 0xFF800000 : f32
    %broadcast_in_dim3A = vector.broadcast %jit3A : f32 to vector<51x8192xf32>
    %select_n3A = arith.select %ge3A_8, %get3A_1, %broadcast_in_dim3A : vector<51x8192xi1>, vector<51x8192xf32>
    %reduce_max3A = arith.constant dense<0xFF800000> : vector<8192xf32>
    %reduce_max3A_9 = vector.multi_reduction <maximumf>, %select_n3A, %reduce_max3A [0] : vector<51x8192xf32> to vector<8192xf32>
    %broadcast_in_dim3A_10 = vector.shape_cast %reduce_max3A_9 : vector<8192xf32> to vector<1x8192xf32>
    %eq3A = vector.broadcast %broadcast_in_dim3A_10 : vector<1x8192xf32> to vector<51x8192xf32>
    %eq3A_11 = arith.cmpf oeq, %select_n3A, %eq3A : vector<51x8192xf32>
    %jit3A_12 = arith.constant 52 : i32
    %broadcast_in_dim3A_13 = vector.broadcast %jit3A_12 : i32 to vector<51x8192xi32>
    %select_n3A_14 = arith.select %eq3A_11, %iota3A, %broadcast_in_dim3A_13 : vector<51x8192xi1>, vector<51x8192xi32>
    %reduce_min3A = arith.constant dense<2147483647> : vector<8192xi32>
    %reduce_min3A_15 = vector.multi_reduction <minsi>, %select_n3A_14, %reduce_min3A [0] : vector<51x8192xi32> to vector<8192xi32>
    %broadcast_in_dim3A_16 = vector.shape_cast %reduce_min3A_15 : vector<8192xi32> to vector<1x8192xi32>
    %slice3A = vector.extract_strided_slice %get3A_1 {offsets = [0, 0], sizes = [1, 8192], strides = [1, 1]} : vector<51x8192xf32> to vector<1x8192xf32>
    %max3A = arith.maximumf %broadcast_in_dim3A_10, %slice3A : vector<1x8192xf32>
    %sub3A = vector.broadcast %max3A : vector<1x8192xf32> to vector<51x8192xf32>
    %sub3A_17 = arith.subf %get3A_1, %sub3A : vector<51x8192xf32>
    %exp3A = math.exp %sub3A_17 : vector<51x8192xf32>
    %reduce_sum3A = arith.constant dense<0.000000e+00> : vector<8192xf32>
    %reduce_sum3A_18 = vector.multi_reduction <add>, %exp3A, %reduce_sum3A [0] : vector<51x8192xf32> to vector<8192xf32>
    %broadcast_in_dim3A_19 = vector.shape_cast %reduce_sum3A_18 : vector<8192xf32> to vector<1x8192xf32>
    %div3A = vector.broadcast %broadcast_in_dim3A_19 : vector<1x8192xf32> to vector<51x8192xf32>
    %div3A_20 = arith.divf %exp3A, %div3A : vector<51x8192xf32>
    %swap3A = arith.constant 0 : index
    %swap3A_21 = arith.constant 0 : index
    %swap3A_22 = vector.load %arg3[%swap3A, %swap3A_21] : memref<51x8192xf32, #tpu.memory_space<vmem>>, vector<51x8192xf32>
    tpu.vector_store %arg3[%swap3A, %swap3A_21], %div3A_20 {strides = array<i32>} : memref<51x8192xf32, #tpu.memory_space<vmem>>, vector<51x8192xf32>,
    %ne3A = arith.constant 0 : i32
    %ne3A_23 = vector.broadcast %ne3A : i32 to vector<1x8192xi32>
    %ne3A_24 = arith.cmpi ne, %get3A_6, %ne3A_23 : vector<1x8192xi32>
    %eq3A_25 = vector.broadcast %get3A_6 : vector<1x8192xi32> to vector<51x8192xi32>
    %eq3A_26 = arith.cmpi eq, %iota3A, %eq3A_25 : vector<51x8192xi32>
    %and3A = vector.broadcast %ne3A_24 : vector<1x8192xi1> to vector<51x8192xi1>
    %and3A_27 = arith.andi %eq3A_26, %and3A : vector<51x8192xi1>
    %convert_element_type3A = arith.extui %and3A_27 : vector<51x8192xi1> to vector<51x8192xi32>
    %convert_element_type3A_28 = arith.sitofp %convert_element_type3A : vector<51x8192xi32> to vector<51x8192xf32>
    %swap3A_29 = arith.constant 0 : index
    %swap3A_30 = arith.constant 0 : index
    %swap3A_31 = arith.constant 0 : index
    %swap3A_32 = vector.load %arg4[%swap3A_29, %swap3A_30, %swap3A_31] : memref<1x1x8192xi32, #tpu.memory_space<vmem>>, vector<1x1x8192xi32>
    %swap3A_33 = vector.shape_cast %swap3A_32 : vector<1x1x8192xi32> to vector<1x8192xi32>
    %swap3A_34 = vector.shape_cast %broadcast_in_dim3A_16 : vector<1x8192xi32> to vector<1x1x8192xi32>
    tpu.vector_store %arg4[%swap3A_29, %swap3A_30, %swap3A_31], %swap3A_34 {strides = array<i32>} : memref<1x1x8192xi32, #tpu.memory_space<vmem>>, vector<1x1x8192xi32>,
    %mul3A = arith.mulf %div3A_20, %convert_element_type3A_28 : vector<51x8192xf32>
    %reduce_sum3A_35 = arith.constant dense<0.000000e+00> : vector<8192xf32>
    %reduce_sum3A_36 = vector.multi_reduction <add>, %mul3A, %reduce_sum3A_35 [0] : vector<51x8192xf32> to vector<8192xf32>
    %broadcast_in_dim3A_37 = vector.shape_cast %reduce_sum3A_36 : vector<8192xf32> to vector<1x8192xf32>
    %swap3A_38 = arith.constant 0 : index
    %swap3A_39 = arith.constant 0 : index
    %swap3A_40 = arith.constant 0 : index
    %swap3A_41 = vector.load %arg5[%swap3A_38, %swap3A_39, %swap3A_40] : memref<1x1x8192xf32, #tpu.memory_space<vmem>>, vector<1x1x8192xf32>
    %swap3A_42 = vector.shape_cast %swap3A_41 : vector<1x1x8192xf32> to vector<1x8192xf32>
    %swap3A_43 = vector.shape_cast %broadcast_in_dim3A_37 : vector<1x8192xf32> to vector<1x1x8192xf32>
    tpu.vector_store %arg5[%swap3A_38, %swap3A_39, %swap3A_40], %swap3A_43 {strides = array<i32>} : memref<1x1x8192xf32, #tpu.memory_space<vmem>>, vector<1x1x8192xf32>,
    return
  }
  func.func @transform_0(%arg0: i32) -> (i32, i32) {
    %c0_i32 = arith.constant 0 : i32
    %c0_i32_0 = arith.constant 0 : i32
    return %c0_i32, %arg0 : i32, i32
  }
  func.func @transform_1(%arg0: i32) -> (i32, i32, i32) {
    %c0_i32 = arith.constant 0 : i32
    %c0_i32_0 = arith.constant 0 : i32
    %c0_i32_1 = arith.constant 0 : i32
    return %arg0, %c0_i32, %c0_i32_0 : i32, i32, i32
  }
  func.func @transform_2(%arg0: i32) -> (i32, i32) {
    %c0_i32 = arith.constant 0 : i32
    %c0_i32_0 = arith.constant 0 : i32
    return %c0_i32, %arg0 : i32, i32
  }
  func.func @transform_3(%arg0: i32) -> (i32, i32, i32) {
    %c0_i32 = arith.constant 0 : i32
    %c0_i32_0 = arith.constant 0 : i32
    %c0_i32_1 = arith.constant 0 : i32
    return %arg0, %c0_i32, %c0_i32_0 : i32, i32, i32
  }
  func.func @transform_4(%arg0: i32) -> (i32, i32, i32) {
    %c0_i32 = arith.constant 0 : i32
    %c0_i32_0 = arith.constant 0 : i32
    %c0_i32_1 = arith.constant 0 : i32
    return %arg0, %c0_i32, %c0_i32_0 : i32, i32, i32
  }
}

module attributes {stable_mosaic.version = 14 : i64} {
  func.func @_tcb_kernel(%arg0: i32, %arg1: memref<51x8192xf32, #tpu.memory_space<vmem>>, %arg2: memref<32x51x64xf32, #tpu.memory_space<vmem>>, %arg3: memref<32x2x64xf32, #tpu.memory_space<vmem>>, %arg4: memref<1x51xf32, #tpu.memory_space<vmem>>, %arg5: memref<51x51xf32, #tpu.memory_space<vmem>>, %arg6: memref<8192x51xf32, #tpu.memory_space<vmem>>, %arg7: memref<51x51xf32, #tpu.memory_space<vmem>>) attributes {dimension_semantics = [#tpu.dimension_semantics<arbitrary>], iteration_bounds = array<i64: 2>, scalar_prefetch = 0 : i64, scratch_operands = 1 : i64, tpu.core_type = #tpu.core_type<tc>, window_params = [{transform_indices = @transform_0, window_bounds = array<i64: 51, 8192>}, {pipeline_mode = #tpu.pipeline_mode<synchronous>, transform_indices = @transform_1, window_bounds = array<i64: 32, 51, 64>}, {pipeline_mode = #tpu.pipeline_mode<synchronous>, transform_indices = @transform_2, window_bounds = array<i64: 32, 2, 64>}, {pipeline_mode = #tpu.pipeline_mode<synchronous>, transform_indices = @transform_3, window_bounds = array<i64: 1, 51>}, {pipeline_mode = #tpu.pipeline_mode<synchronous>, transform_indices = @transform_4, window_bounds = array<i64: 51, 51>}, {transform_indices = @transform_5, window_bounds = array<i64: 8192, 51>}]} {
    %eq3A = arith.constant 0 : i32
    %eq3A_0 = arith.cmpi eq, %arg0, %eq3A : i32
    %convert_element_type3A = arith.extui %eq3A_0 : i1 to i32
    %cond3A = arith.constant 0 : i32
    %cond3A_1 = arith.cmpi ne, %convert_element_type3A, %cond3A : i32
    scf.if %cond3A_1 {
      %get3A_10 = arith.constant 0 : index
      %get3A_11 = arith.constant 0 : index
      %get3A_12 = arith.constant 0 : index
      %get3A_13 = vector.load %arg2[%get3A_10, %get3A_11, %get3A_12] : memref<32x51x64xf32, #tpu.memory_space<vmem>>, vector<32x51x64xf32>
      %reduce_sum3A = arith.constant dense<0.000000e+00> : vector<51x64xf32>
      %reduce_sum3A_14 = vector.multi_reduction <add>, %get3A_13, %reduce_sum3A [0] : vector<32x51x64xf32> to vector<51x64xf32>
      %slice3A = vector.extract_strided_slice %reduce_sum3A_14 {offsets = [0, 0], sizes = [51, 51], strides = [1, 1]} : vector<51x64xf32> to vector<51x51xf32>
      %get3A_15 = arith.constant 0 : index
      %get3A_16 = arith.constant 0 : index
      %get3A_17 = arith.constant 0 : index
      %get3A_18 = vector.load %arg3[%get3A_15, %get3A_16, %get3A_17] : memref<32x2x64xf32, #tpu.memory_space<vmem>>, vector<32x2x64xf32>
      %reduce_sum3A_19 = arith.constant dense<0.000000e+00> : vector<2x64xf32>
      %reduce_sum3A_20 = vector.multi_reduction <add>, %get3A_18, %reduce_sum3A_19 [0] : vector<32x2x64xf32> to vector<2x64xf32>
      %slice3A_21 = vector.extract_strided_slice %reduce_sum3A_20 {offsets = [0, 0], sizes = [1, 51], strides = [1, 1]} : vector<2x64xf32> to vector<1x51xf32>
      %slice3A_22 = vector.extract_strided_slice %reduce_sum3A_20 {offsets = [1, 0], sizes = [1, 51], strides = [1, 1]} : vector<2x64xf32> to vector<1x51xf32>
      %get3A_23 = arith.constant 0 : index
      %get3A_24 = arith.constant 0 : index
      %get3A_25 = vector.load %arg5[%get3A_23, %get3A_24] : memref<51x51xf32, #tpu.memory_space<vmem>>, vector<51x51xf32>
      %add3A = arith.addf %slice3A, %get3A_25 : vector<51x51xf32>
      %reduce_sum3A_26 = arith.constant dense<0.000000e+00> : vector<51xf32>
      %reduce_sum3A_27 = vector.multi_reduction <add>, %add3A, %reduce_sum3A_26 [1] : vector<51x51xf32> to vector<51xf32>
      %broadcast_in_dim3A = vector.shape_cast %reduce_sum3A_27 : vector<51xf32> to vector<51x1xf32>
      %div3A = vector.broadcast %broadcast_in_dim3A : vector<51x1xf32> to vector<51x51xf32>
      %div3A_28 = arith.divf %add3A, %div3A : vector<51x51xf32>
      %div3A_29 = arith.divf %slice3A_21, %slice3A_22 : vector<1x51xf32>
      %get3A_30 = arith.constant 0 : index
      %get3A_31 = arith.constant 0 : index
      %get3A_32 = vector.load %arg4[%get3A_30, %get3A_31] : memref<1x51xf32, #tpu.memory_space<vmem>>, vector<1x51xf32>
      %gt3A = arith.constant 0.000000e+00 : f32
      %gt3A_33 = vector.broadcast %gt3A : f32 to vector<1x51xf32>
      %gt3A_34 = arith.cmpf ogt, %slice3A_22, %gt3A_33 : vector<1x51xf32>
      %mul3A = arith.constant 1.000000e-01 : f32
      %mul3A_35 = vector.broadcast %mul3A : f32 to vector<1x51xf32>
      %mul3A_36 = arith.mulf %mul3A_35, %div3A_29 : vector<1x51xf32>
      %mul3A_37 = arith.constant 0.899999976 : f32
      %mul3A_38 = vector.broadcast %mul3A_37 : f32 to vector<1x51xf32>
      %mul3A_39 = arith.mulf %mul3A_38, %get3A_32 : vector<1x51xf32>
      %add3A_40 = arith.addf %mul3A_36, %mul3A_39 : vector<1x51xf32>
      %select_n3A = arith.select %gt3A_34, %add3A_40, %get3A_32 : vector<1x51xi1>, vector<1x51xf32>
      %dot_general3A_41 = arith.constant dense<0.000000e+00> : vector<1x51xf32>
      %dot_general3A_42 = tpu.matmul %select_n3A, %div3A_28, %dot_general3A_41 {dimension_numbers = #tpu.dot_dimension_numbers<[1], [0], [0], [1], [0, 0, 1, 1], [], []>, transpose_lhs_hint = false} : vector<1x51xf32>, vector<51x51xf32>, vector<1x51xf32> -> vector<1x51xf32>
      %add3A_43 = arith.constant 9.99999974E-6 : f32
      %add3A_44 = vector.broadcast %add3A_43 : f32 to vector<1x51xf32>
      %add3A_45 = arith.addf %dot_general3A_42, %add3A_44 : vector<1x51xf32>
      %div3A_46 = vector.broadcast %add3A_45 : vector<1x51xf32> to vector<51x51xf32>
      %div3A_47 = arith.divf %div3A_28, %div3A_46 : vector<51x51xf32>
      %swap3A_48 = arith.constant 0 : index
      %swap3A_49 = arith.constant 0 : index
      %swap3A_50 = vector.load %arg7[%swap3A_48, %swap3A_49] : memref<51x51xf32, #tpu.memory_space<vmem>>, vector<51x51xf32>
      tpu.vector_store %arg7[%swap3A_48, %swap3A_49], %div3A_47 {strides = array<i32>} : memref<51x51xf32, #tpu.memory_space<vmem>>, vector<51x51xf32>,
    } else {
    }
    %get3A = arith.constant 0 : index
    %get3A_2 = arith.constant 0 : index
    %get3A_3 = vector.load %arg1[%get3A, %get3A_2] : memref<51x8192xf32, #tpu.memory_space<vmem>>, vector<51x8192xf32>
    %get3A_4 = arith.constant 0 : index
    %get3A_5 = arith.constant 0 : index
    %get3A_6 = vector.load %arg7[%get3A_4, %get3A_5] : memref<51x51xf32, #tpu.memory_space<vmem>>, vector<51x51xf32>
    %dot_general3A = arith.constant dense<0.000000e+00> : vector<8192x51xf32>
    %dot_general3A_7 = tpu.matmul %get3A_3, %get3A_6, %dot_general3A {dimension_numbers = #tpu.dot_dimension_numbers<[0], [0], [1], [1], [0, 1, 1, 1], [], []>, transpose_lhs_hint = false} : vector<51x8192xf32>, vector<51x51xf32>, vector<8192x51xf32> -> vector<8192x51xf32>
    %swap3A = arith.constant 0 : index
    %swap3A_8 = arith.constant 0 : index
    %swap3A_9 = vector.load %arg6[%swap3A, %swap3A_8] : memref<8192x51xf32, #tpu.memory_space<vmem>>, vector<8192x51xf32>
    tpu.vector_store %arg6[%swap3A, %swap3A_8], %dot_general3A_7 {strides = array<i32>} : memref<8192x51xf32, #tpu.memory_space<vmem>>, vector<8192x51xf32>,
    return
  }
  func.func @transform_0(%arg0: i32) -> (i32, i32) {
    %c0_i32 = arith.constant 0 : i32
    %c0_i32_0 = arith.constant 0 : i32
    return %c0_i32, %arg0 : i32, i32
  }
  func.func @transform_1(%arg0: i32) -> (i32, i32, i32) {
    %c0_i32 = arith.constant 0 : i32
    %c0_i32_0 = arith.constant 0 : i32
    %c0_i32_1 = arith.constant 0 : i32
    %c0_i32_2 = arith.constant 0 : i32
    return %c0_i32, %c0_i32_0, %c0_i32_1 : i32, i32, i32
  }
  func.func @transform_2(%arg0: i32) -> (i32, i32, i32) {
    %c0_i32 = arith.constant 0 : i32
    %c0_i32_0 = arith.constant 0 : i32
    %c0_i32_1 = arith.constant 0 : i32
    %c0_i32_2 = arith.constant 0 : i32
    return %c0_i32, %c0_i32_0, %c0_i32_1 : i32, i32, i32
  }
  func.func @transform_3(%arg0: i32) -> (i32, i32) {
    %c0_i32 = arith.constant 0 : i32
    %c0_i32_0 = arith.constant 0 : i32
    %c0_i32_1 = arith.constant 0 : i32
    return %c0_i32, %c0_i32_0 : i32, i32
  }
  func.func @transform_4(%arg0: i32) -> (i32, i32) {
    %c0_i32 = arith.constant 0 : i32
    %c0_i32_0 = arith.constant 0 : i32
    %c0_i32_1 = arith.constant 0 : i32
    return %c0_i32, %c0_i32_0 : i32, i32
  }
  func.func @transform_5(%arg0: i32) -> (i32, i32) {
    %c0_i32 = arith.constant 0 : i32
    %c0_i32_0 = arith.constant 0 : i32
    return %arg0, %c0_i32 : i32, i32
  }
}

</mosaic_0001>

<sc_bundles>
// kernel: kernel.5.cloned.1.call-start
scs
__scs_entry_jumppad:
0x0: {  	(pc) =	sbr.rel $0x88, $3  }
0x1: {  	(tag) =	ssettag $0x0;
	lr =	simm.s32 $0x1  }
0x2: {  	[smem:$0x3F9D] =	sst lr;
	_ =	strace $0xD0000000  }
0x3: {  	_ = 	snop  }
0x4: {  	_ = 	snop  }
0x5: {  	_ = 	snop  }
0x6: {  	_ = 	snop  }
0x7: {  	_ = 	snop  }
__scs_overlays_trampoline_lowered:
0x8: {  	[smem:$0x3FAC] =	sst s0  }
0x9: {  	[smem:$0x3FAD] =	sst s1  }
0xa: {  	[smem:$0x3FAE] =	sst s2  }
0xb: {  	[smem:$0x3FAF] =	sst s3  }
0xc: {  	[smem:$0x3FB0] =	sst s4  }
0xd: {  	[smem:$0x3FB1] =	sst s5  }
0xe: {  	[smem:$0x3FB2] =	sst s6  }
0xf: {  	[smem:$0x3FB3] =	sst s7  }
0x10: {  	[smem:$0x3FB4] =	sst s8  }
0x11: {  	[smem:$0x3FB5] =	sst s9;
	s0 =	simm.s32 @!p0 $0x0  }
0x12: {  	s1 =	sld [smem:$0x3F9B];
	s0 =	simm.s32 @p0 $0x1  }
0x13: {  	[smem:$0x3FB6] =	sst s0;
	s0 =	simm.s32 @!p1 $0x0  }
0x14: {  	s2 =	sld [smem:$0x3F9A];
	s0 =	simm.s32 @p1 $0x1  }
0x15: {  	[smem:$0x3FB7] =	sst s0;
	s0 =	simm.s32 @!p2 $0x0  }
0x16: {  	s3 =	sld [smem:$0x3FDB];
	s0 =	simm.s32 @p2 $0x1  }
0x17: {  	s4 =	simm.s32 $0x1BF5;
	[smem:$0x3FB9] =	sst s0  }
0x18: {  	s0 =	sld [smem:$0x3F9C];
	_ =	swait.ge [sflag:s4], $0x0  }
0x19: {  	s7 =	sld [smem:$0x3F9D]  }
0x1a: {  	s8 =	sadd.s32 $0xFFFFE003, lr  }
0x1b: {  	s9 =	sadd.s32 $0xFFFFFEF7, lr;
	s5 =	simm.s32 $0xFFFFFFFF;
	p2 =	slt.u32 s8, $0xFFFFF086  }
0x1c: {  	p1 =	slt.u32 s9, $0xF7A;
	s5 =	simm.s32 @!p2 $0x0  }
0x1d: {  	s5 =	simm.s32 @p1 $0x1;
	p0 =	seq.s32 s7, s2  }
0x1e: {  	s7 =	smul.u32 @!p0 $0xF7A, s2;
	p2 =	seq.s32 @!p0 s5, $0x0  }
0x1f: {  	s9 =	smul.u32 $0xF7A, s1;
	s8 =	simm.s32 @!p0 $0x1BF5;
	p2 =	por !p2, p0  }
0x20: {  	[sflag:s8] =	ssyncset.s32 @!p0 $0xFFFFF086;
	s6 =	sadd.s32 @!p0 s3, s7;
	s7 =	simm.s32 @!p0 $0x108  }
0x21: {  	s3 =	sadd.s32 s3, s9;
	s6 =	sadd.s32 @!p0 $0x88, s6;
	s7 =	simm.s32 @p2 $0x1082  }
0x22: {  	[simem:s7], [sflag:s8] =	dma.local @!p0 [hbm:s6], $0xF7A  }
0x23: {  	s9 =	sor.u32 $0xD0000000, s2;
	s6 =	simm.s32 $0x108;
	_ =	swait.ge @!p0 [sflag:s8], $0x0  }
0x24: {  	s3 =	sadd.s32 $0x88, s3;
	s6 =	simm.s32 @!p1 $0x1082;
	[sflag:s4] =	ssyncset.s32 $0xFFFFF086  }
0x25: {  	[simem:s6], [sflag:s4] =	dma.local [hbm:s3], $0xF7A  }
0x26: {  	[smem:$0x3F9D] =	sst s1;
	(tag) =	ssettag s2;
	_ =	strace s9  }
0x27: {  	s1 =	sld [smem:$0x3FAD]  }
0x28: {  	s2 =	sld [smem:$0x3FAE]  }
0x29: {  	s4 =	sld [smem:$0x3FB0]  }
0x2a: {  	p0 =	seq.s32 s5, $0x0;
	s5 =	sld [smem:$0x3FB1]  }
0x2b: {  	s6 =	sld [smem:$0x3FB2]  }
0x2c: {  	s7 =	sld [smem:$0x3FB3]  }
0x2d: {  	s3 =	simm.s32 $0x108;
	s8 =	sld [smem:$0x3FB4]  }
0x2e: {  	s3 =	simm.s32 @!p0 $0x1082;
	s9 =	sld [smem:$0x3FB5]  }
0x2f: {  	lr =	sadd.s32 s0, s3;
	s0 =	sld [smem:$0x3FAC]  }
0x30: {  	s3 =	sld [smem:$0x3FAF]  }
0x31: {  	[smem:$0x3FB8] =	sst s10  }
0x32: {  	s10 =	sld [smem:$0x3FB6];
	_ =	sdelay $0x3  }
0x33: {  	p0 =	seq.s32 s10, $0x1;
	s10 =	sld [smem:$0x3FB8];
	_ =	sdelay $0x3  }
0x34: {  	[smem:$0x3FB8] =	sst s10  }
0x35: {  	s10 =	sld [smem:$0x3FB7];
	_ =	sdelay $0x3  }
0x36: {  	p1 =	seq.s32 s10, $0x1;
	s10 =	sld [smem:$0x3FB8];
	_ =	sdelay $0x3  }
0x37: {  	[smem:$0x3FB8] =	sst s10  }
0x38: {  	s10 =	sld [smem:$0x3FB9]  }
0x39: {  	_ = 	snop;
	(pc) =	sbr.ind lr, $3  }
0x3a: {  	_ = 	snop  }
0x3b: {  	_ = 	snop  }
0x3c: {  	p2 =	seq.s32 s10, $0x1;
	s10 =	sld [smem:$0x3FB8]  }
0x3d: {  	_ =	shalt  }
0x3e: {  	_ =	shalt  }
0x3f: {  	_ =	shalt  }
0x40: {  	_ =	shalt  }
0x41: {  	_ =	shalt  }
0x42: {  	_ =	shalt  }
0x43: {  	_ =	shalt  }
0x44: {  	_ =	shalt  }
0x45: {  	_ =	shalt  }
0x46: {  	_ =	shalt  }
0x47: {  	_ =	shalt  }
0x48: {  	_ =	shalt  }
0x49: {  	_ =	shalt  }
0x4a: {  	_ =	shalt  }
0x4b: {  	_ =	shalt  }
0x4c: {  	_ =	shalt  }
0x4d: {  	_ =	shalt  }
0x4e: {  	_ =	shalt  }
0x4f: {  	_ =	shalt  }
0x50: {  	_ =	shalt  }
0x51: {  	_ =	shalt  }
0x52: {  	_ =	shalt  }
0x53: {  	_ =	shalt  }
0x54: {  	_ =	shalt  }
0x55: {  	_ =	shalt  }
0x56: {  	_ =	shalt  }
0x57: {  	_ =	shalt  }
0x58: {  	_ =	shalt  }
0x59: {  	_ =	shalt  }
0x5a: {  	_ =	shalt  }
0x5b: {  	_ =	shalt  }
0x5c: {  	_ =	shalt  }
0x5d: {  	_ =	shalt  }
0x5e: {  	_ =	shalt  }
0x5f: {  	_ =	shalt  }
0x60: {  	_ =	shalt  }
0x61: {  	_ =	shalt  }
0x62: {  	_ =	shalt  }
0x63: {  	_ =	shalt  }
0x64: {  	_ =	shalt  }
0x65: {  	_ =	shalt  }
0x66: {  	_ =	shalt  }
0x67: {  	_ =	shalt  }
0x68: {  	_ =	shalt  }
0x69: {  	_ =	shalt  }
0x6a: {  	_ =	shalt  }
0x6b: {  	_ =	shalt  }
0x6c: {  	_ =	shalt  }
0x6d: {  	_ =	shalt  }
0x6e: {  	_ =	shalt  }
0x6f: {  	_ =	shalt  }
0x70: {  	_ =	shalt  }
0x71: {  	_ =	shalt  }
0x72: {  	_ =	shalt  }
0x73: {  	_ =	shalt  }
0x74: {  	_ =	shalt  }
0x75: {  	_ =	shalt  }
0x76: {  	_ =	shalt  }
0x77: {  	_ =	shalt  }
0x78: {  	_ =	shalt  }
0x79: {  	_ =	shalt  }
0x7a: {  	_ =	shalt  }
0x7b: {  	_ =	shalt  }
0x7c: {  	_ =	shalt  }
0x7d: {  	_ =	shalt  }
0x7e: {  	_ =	shalt  }
0x7f: {  	_ =	shalt  }
0x80: {  	_ =	shalt  }
0x81: {  	_ =	shalt  }
0x82: {  	_ =	shalt  }
0x83: {  	_ =	shalt  }
0x84: {  	_ =	shalt  }
0x85: {  	_ =	shalt  }
0x86: {  	_ =	shalt  }
0x87: {  	_ =	shalt  }
.Lfunc_end0:
.L_simem_size_0:
called_computation_lowered:
.L_overlay_start_0:
0x88: {  	s2 =	sld [smem:$0x3FD9]  }
0x89: {  	s3 =	sld [smem:$0x3FFE];
	_ =	sdelay $0x1  }
0x8a: {  	s1 =	srdreg.scid  }
0x8b: {  	s0 =	sand.u32 $0x1, s1  }
0x8c: {  	s17 =	sshll.u32 s0, $0xA;
	s2 =	sadd.s32 s3, s2  }
0x8d: {  	s2 =	sadd.s32 s2, s17  }
0x8e: {  	[smem:$0x3FC4] =	sst s2  }
0x8f: {  	_ = 	snop  }
0x90: {  	s2 =	sld [smem:$0x3FC8]  }
0x91: {  	s18 =	sld [smem:$0x3FD0];
	(tm) =	ssettm $0x1  }
0x92: {  	s4 =	sld [smem:$0x3FFB];
	_ =	sdelay $0x3  }
0x93: {  	_ =	strace s4  }
0x94: {  	s4 =	sld [smem:$0x3FFC];
	_ =	sdelay $0x3  }
0x95: {  	_ =	strace s4  }
0x96: {  	s4 =	sld [smem:$0x3FFD];
	_ =	sdelay $0x3  }
0x97: {  	_ =	strace s4  }
0x98: {  	_ =	strace $0x8FFFFFFF  }
0x99: {  	s19 =	sld [smem:$0x3FDB];
	_ =	sdelay $0x1  }
0x9a: {  	s5 =	simm.s32 $_scs_section_size  }
0x9b: {  	s6 =	simm.s32 $_size__tile_overlayer_lowered;
	s7 =	simm.s32 $_tile_overlayer_lowered  }
0x9c: {  	s22 =	simm.s32 $0x1BFF;
	s21 =	sshll.u32 s7, $0x1;
	s4 =	sadd.s32 s5, s19  }
0x9d: {  	s8 =	simm.s32 $0x0;
	s20 =	sshll.u32 s6, $0x1;
	s6 =	sadd.s32 s21, s4  }
0x9e: {  	[timem:s8], [sflag:s22] =	dma.local [hbm:s6], s20  }
0x9f: {  	_ =	swait.ge [sflag:s22], s20  }
0xa0: {  	s5 =	ssub.s32 $0x0, s20;
	[sflag:s22] =	ssyncset.done $0x0  }
0xa1: {  	[sflag:s22] =	ssyncadd.s32 s5;
	_ =	sdelay $0x1  }
0xa2: {  	s23 =	simm.s32 $0x1B8B  }
0xa3: {  	_ =	swait.ge [sflag:s23], $0x1  }
0xa4: {  	[sflag:s23] =	ssyncset.done $0x0  }
0xa5: {  	s25 =	simm.s32 $0x1B8E;
	s24 =	sld [smem:$0x3FFE];
	[sflag:s23] =	ssyncadd.s32 $0xFFFFFFFF  }
0xa6: {  	s26 =	simm.s32 $execute0_lowered;
	[smem:$0x3FD2] =	sst s25  }
0xa7: {  	s6 =	sshll.u32 s26, $0x1;
	_ =	strace $0x80000046;
	[dreg:$0x1] =	wrdreg $0xFFFFFFFF  }
0xa8: {  	s28 =	simm.s32 $_size_execute0_lowered;
	s4 =	sadd.s32 s4, s6;
	[dreg:$0x0] =	wrdreg $0x0  }
0xa9: {  	s6 =	sshll.u32 s28, $0x1;
	[dreg:$0x2] =	wrdreg s4  }
0xaa: {  	[dreg:$0x3] =	wrdreg s6  }
0xab: {  	[dreg:$0x4] =	wrdreg $0xC0  }
0xac: {  	_ =	task [dreg:s8], $0x5FFFF  }
0xad: {  	[dreg:$0x1] =	wrdreg $0xFFFFFFFF  }
0xae: {  	[dreg:$0x0] =	wrdreg $0x60  }
0xaf: {  	[dreg:$0x2] =	wrdreg s2  }
0xb0: {  	[dreg:$0x3] =	wrdreg s24  }
0xb1: {  	[dreg:$0x4] =	wrdreg s18  }
0xb2: {  	[dreg:$0x5] =	wrdreg $0x9  }
0xb3: {  	_ =	task.clear_ibuf [dreg:s8], $0x6FFFF;
	_ =	strace $0x90000046  }
0xb4: {  	s29 =	simm.s32 $0x9;
	_ =	strace $0x80000048  }
0xb5: {  	_ =	swait.ge [sflag:s29], $0x1  }
0xb6: {  	[sflag:s29] =	ssyncadd.s32 $0xFFFFFFFF  }
0xb7: {  	_ =	strace $0x90000048  }
0xb8: {  	_ =	sfence  }
0xb9: {  	s30 =	sld [smem:$0x0];
	_ =	sdelay $0x2  }
0xba: {  	s31 =	sshll.u32 s1, $0xD;
	s1 =	sshrl.u32 s1, $0x2  }
0xbb: {  	s3 =	sand.u32 $0x4000, s31;
	s1 =	sadd.s32 s1, s30  }
0xbc: {  	s0 =	sor.u32 s3, s0;
	s1 =	sshll.u32 s1, $0x11  }
0xbd: {  	s0 =	sor.u32 s1, s0  }
0xbe: {  	s0 =	sadd.s32 $0x8F2B, s0  }
0xbf: {  	[sflag:s0] =	ssyncadd.remote.s32 $0x1  }
0xc0: {  	_ =	sfence.sel $0xFFFF  }
0xc1: {  	[dreg:$0x0] =	wrdreg $0xFFFFFFFF;
	(pc) =	sbr.abs _section_cstart, $3  }
0xc2: {  	[dreg:$0x1] =	wrdreg $0xFFFFFFFF  }
0xc3: {  	_ =	task.clear_ibuf [dreg:s8], $0x2FFFF;
	_ =	strace $0x9FFFFFFF  }
0xc4: {  	(tm) =	ssettm $0x7FFFFFFF  }
0xc5: {  	_ =	shalt  }
tec
execute0_lowered:
.L_overlay_start_1:
0x0: {  	(tag) =	ssettag $0x1  }
0x1: {  	s3 =	rddreg [dreg:$0x0]  }
0x2: {  	s4 =	rddreg [dreg:$0x1];
	s1 =	srdreg.scid  }
0x3: {  	s0 =	stileid.u32;
	s6 =	rddreg [dreg:$0x2];
	s2 =	simm.s32 $0x0  }
0x4: {  	s12 =	simm.s32 $0x600;
	s13 =	simm.s32 $0xDA00;
	s14 =	simm.s32 $0xF380  }
0x5: {  	s5 =	sand.u32 $0x1, s1;
	s7 =	sshll.u32 s0, $0x1;
	s1 =	rddreg [dreg:$0x3]  }
0x6: {  	s15 =	simm.s32 $0x0;
	[smem:$0x7FF] =	sst s2;
	s7 =	sor.u32 s5, s7  }
0x7: {  	_ =	strace $0x80000047;
	s5 =	ssub.s32 $0x2, s5;
	s8 =	sshll.u32 s7, $0x6  }
0x8: {  	s10 =	sshll.u32 s7, $0x5;
	s11 =	sshrl.u32 s5, $0x1;
	s7 =	smul.u32 $0x380, s7  }
0x9: {  	v0 =	vlaneseq.u32;
	s9 =	sadd.s32 s8, s4;
	s10 =	sadd.s32 s10, s4;
	s11 =	ssub.s32 s5, s11  }
0xa: {  	v0 =	vmul.u32 $0xD40, v0;
	s3 =	sadd.s32 s3, s8;
	s4 =	sadd.s32 $0x1A00, s9;
	s5 =	sadd.s32 $0x2200, s9  }
0xb: {  	v1 =	vimm.f32 $0.0e+00;
	s6 =	sadd.s32 s6, s7;
	s7 =	sadd.s32 $0x2A00, s10;
	s8 =	smax.u32 s11, $0x1  }
0xc: {  	v2 =	vimm.f32 $1.000000000e+00;
	v3 =	vadd.s32 $0xCC0, v0;
	v4 =	vadd.s32 $0xD00, v0;
	s9 =	simm.s32 $0x1;
	s10 =	simm.s32 $0x200;
	s11 =	simm.s32 $0x400  }
.LBB2_1:
0xd: {  	[tilespmem:s2], [sflag:$0x1] =	stream.linear.gather [hbm4b:s3+s2], $0x200, $0x38;
	[tilespmem:$0xF600] =	vst v63  }
0xe: {  	_ =	swait.ge [sflag:s9], $0x200  }
0xf: {  	[sflag:s9] =	ssyncset.done $0x0  }
0x10: {  	[sflag:s9] =	ssyncadd.s32 $0xFFFFFE00  }
0x11: {  	[tilespmem:s10], [sflag:$0x1] =	stream.linear.gather [hbm4b:s4+s2], $0x200, $0x38;
	[tilespmem:$0xF600] =	vst v63  }
0x12: {  	_ =	swait.ge [sflag:s9], $0x200  }
0x13: {  	[sflag:s9] =	ssyncset.done $0x0  }
0x14: {  	[sflag:s9] =	ssyncadd.s32 $0xFFFFFE00  }
0x15: {  	[tilespmem:s11], [sflag:$0x1] =	stream.linear.gather [hbm4b:s5+s2], $0x200, $0x38;
	[tilespmem:$0xF600] =	vst v63  }
0x16: {  	_ =	swait.ge [sflag:s9], $0x200  }
0x17: {  	[sflag:s9] =	ssyncset.done $0x0  }
0x18: {  	s16 =	simm.s32 $0x100;
	s17 =	simm.s32 $0x0;
	[sflag:s9] =	ssyncadd.s32 $0xFFFFFE00  }
.LBB2_2:
0x19: {  	p0 =	sne.s32 s16, $0x34F00;
	[tilespmem:s17+$0x630] =	vst v1;
	s18 =	smov.u32 s16;
	s16 =	sadd.s32 $0x100, s16  }
.Ltmp0:
0x1a: {  	[tilespmem:s17+$0x620] =	vst v1;
	(pc) =	sbr.rel @p0 .LBB2_2-.Ltmp0, $3  }
0x1b: {  	[tilespmem:s17+$0x600] =	vst v1  }
0x1c: {  	[tilespmem:s17+$0x610] =	vst v1;
	_ =	sdelay $0x1  }
0x1d: {  	s17 =	sshra.s32 s18, $0x2  }
0x1e: {  	[tilespmem:s17+$0x630] =	vst v1  }
0x1f: {  	[tilespmem:s17+$0x620] =	vst v1  }
0x20: {  	[tilespmem:s17+$0x600] =	vst v1  }
0x21: {  	s16 =	simm.s32 $0x0;
	[tilespmem:s17+$0x610] =	vst v1;
	s17 =	simm.s32 $0x0  }
.LBB2_4:
0x22: {  	s18 =	sshra.s32 s17, $0x2  }
0x23: {  	v5 =	vld [tilespmem:s18+$0x200]  }
0x24: {  	v6 =	vld [tilespmem:s18+$0x0];
	_ =	sdelay $0x3  }
0x25: {  	v5 =	vshll.u32 v5, $0x6  }
0x26: {  	vm0 =	vne.s32 v6, $0x0;
	v5 =	vadd.s32 v5, v6  }
0x27: {  	v5 =	vadd.s32 v0, v5  }
0x28: {  	v7 =	vld [tilespmem:s18+$0x400];
	v8 =	vadd.s32 v3, v6  }
0x29: {  	p0 =	sne.s32 s17, $0x7C0;
	v6 =	vadd.s32 v4, v6  }
.Ltmp1:
0x2a: {  	_ = 	snop;
	(pc) =	sbr.rel @p0 .LBB2_4-.Ltmp1, $4  }
0x2b: {  	_ = 	snop  }
0x2c: {  	[tilespmem:v5+s12+$0x0] =	vst.idx.add.f32.msk vm0, v2  }
0x2d: {  	[tilespmem:v8+s12+$0x0] =	vst.idx.add.f32.msk vm0, v7  }
0x2e: {  	s17 =	sadd.s32 $0x40, s17;
	[tilespmem:v6+s12+$0x0] =	vst.idx.add.f32.msk vm0, v2  }
0x2f: {  	s18 =	simm.s32 $0x0  }
0x30: {  	v5 =	vld [tilespmem:s18+$0x600]  }
0x31: {  	v6 =	vld [tilespmem:s18+$0x1340]  }
0x32: {  	s17 =	sand.u32 $0xFC0, s16  }
0x33: {  	v7 =	vld [tilespmem:s17+$0x2080];
	_ =	sdelay $0x1  }
0x34: {  	v8 =	vld [tilespmem:s18+$0x2DC0]  }
0x35: {  	v5 =	vadd.f32 v6, v5  }
0x36: {  	v6 =	vld [tilespmem:s17+$0x3B00]  }
0x37: {  	v5 =	vadd.f32 v7, v5  }
0x38: {  	v7 =	vld [tilespmem:s18+$0x4840]  }
0x39: {  	v5 =	vadd.f32 v8, v5  }
0x3a: {  	v8 =	vld [tilespmem:s17+$0x5580]  }
0x3b: {  	v5 =	vadd.f32 v6, v5  }
0x3c: {  	v6 =	vld [tilespmem:s18+$0x62C0]  }
0x3d: {  	v5 =	vadd.f32 v7, v5  }
0x3e: {  	v7 =	vld [tilespmem:s17+$0x7000]  }
0x3f: {  	v5 =	vadd.f32 v8, v5  }
0x40: {  	v8 =	vld [tilespmem:s18+$0x7D40]  }
0x41: {  	v5 =	vadd.f32 v6, v5  }
0x42: {  	v6 =	vld [tilespmem:s17+$0x8A80]  }
0x43: {  	v5 =	vadd.f32 v7, v5  }
0x44: {  	v7 =	vld [tilespmem:s18+$0x97C0]  }
0x45: {  	v5 =	vadd.f32 v8, v5  }
0x46: {  	v8 =	vld [tilespmem:s17+$0xA500]  }
0x47: {  	v5 =	vadd.f32 v6, v5  }
0x48: {  	v6 =	vld [tilespmem:s18+$0xB240]  }
0x49: {  	v5 =	vadd.f32 v7, v5  }
0x4a: {  	v7 =	vld [tilespmem:s17+$0xBF80]  }
0x4b: {  	v5 =	vadd.f32 v8, v5  }
0x4c: {  	v8 =	vld [tilespmem:s18+$0xCCC0]  }
0x4d: {  	v5 =	vadd.f32 v6, v5;
	_ =	sdelay $0x1  }
0x4e: {  	v5 =	vadd.f32 v7, v5;
	_ =	sdelay $0x1  }
0x4f: {  	v5 =	vadd.f32 v8, v5  }
0x50: {  	s17 =	simm.s32 $0xDA20  }
0x51: {  	[tilespmem:s17+$0xFFFFFFE0] =	vst v5  }
0x52: {  	v5 =	vld [tilespmem:s18+$0x610]  }
0x53: {  	v6 =	vld [tilespmem:s18+$0x1350];
	_ =	sdelay $0x1  }
0x54: {  	v7 =	vld [tilespmem:s18+$0x2090];
	_ =	sdelay $0x1  }
0x55: {  	v8 =	vld [tilespmem:s18+$0x2DD0]  }
0x56: {  	v5 =	vadd.f32 v6, v5  }
0x57: {  	v6 =	vld [tilespmem:s18+$0x3B10]  }
0x58: {  	v5 =	vadd.f32 v7, v5  }
0x59: {  	v7 =	vld [tilespmem:s18+$0x4850]  }
0x5a: {  	v5 =	vadd.f32 v8, v5  }
0x5b: {  	v8 =	vld [tilespmem:s18+$0x5590]  }
0x5c: {  	v5 =	vadd.f32 v6, v5  }
0x5d: {  	v6 =	vld [tilespmem:s18+$0x62D0]  }
0x5e: {  	v5 =	vadd.f32 v7, v5  }
0x5f: {  	v7 =	vld [tilespmem:s18+$0x7010]  }
0x60: {  	v5 =	vadd.f32 v8, v5  }
0x61: {  	v8 =	vld [tilespmem:s18+$0x7D50]  }
0x62: {  	v5 =	vadd.f32 v6, v5  }
0x63: {  	v6 =	vld [tilespmem:s18+$0x8A90]  }
0x64: {  	v5 =	vadd.f32 v7, v5  }
0x65: {  	v7 =	vld [tilespmem:s18+$0x97D0]  }
0x66: {  	v5 =	vadd.f32 v8, v5  }
0x67: {  	v8 =	vld [tilespmem:s18+$0xA510]  }
0x68: {  	v5 =	vadd.f32 v6, v5  }
0x69: {  	v6 =	vld [tilespmem:s18+$0xB250]  }
0x6a: {  	v5 =	vadd.f32 v7, v5  }
0x6b: {  	v7 =	vld [tilespmem:s18+$0xBF90]  }
0x6c: {  	v5 =	vadd.f32 v8, v5  }
0x6d: {  	v8 =	vld [tilespmem:s18+$0xCCD0]  }
0x6e: {  	v5 =	vadd.f32 v6, v5;
	_ =	sdelay $0x1  }
0x6f: {  	v5 =	vadd.f32 v7, v5;
	_ =	sdelay $0x1  }
0x70: {  	v5 =	vadd.f32 v8, v5;
	_ =	sdelay $0x1  }
0x71: {  	[tilespmem:s17+$0xFFFFFFF0] =	vst v5  }
0x72: {  	v5 =	vld [tilespmem:s18+$0x620]  }
0x73: {  	v6 =	vld [tilespmem:s18+$0x1360];
	_ =	sdelay $0x1  }
0x74: {  	v7 =	vld [tilespmem:s18+$0x20A0];
	_ =	sdelay $0x1  }
0x75: {  	v8 =	vld [tilespmem:s18+$0x2DE0]  }
0x76: {  	v5 =	vadd.f32 v6, v5  }
0x77: {  	v6 =	vld [tilespmem:s18+$0x3B20]  }
0x78: {  	v5 =	vadd.f32 v7, v5  }
0x79: {  	v7 =	vld [tilespmem:s18+$0x4860]  }
0x7a: {  	v5 =	vadd.f32 v8, v5  }
0x7b: {  	v8 =	vld [tilespmem:s18+$0x55A0]  }
0x7c: {  	v5 =	vadd.f32 v6, v5  }
0x7d: {  	v6 =	vld [tilespmem:s18+$0x62E0]  }
0x7e: {  	v5 =	vadd.f32 v7, v5  }
0x7f: {  	v7 =	vld [tilespmem:s18+$0x7020]  }
0x80: {  	v5 =	vadd.f32 v8, v5  }
0x81: {  	v8 =	vld [tilespmem:s18+$0x7D60]  }
0x82: {  	v5 =	vadd.f32 v6, v5  }
0x83: {  	v6 =	vld [tilespmem:s18+$0x8AA0]  }
0x84: {  	v5 =	vadd.f32 v7, v5  }
0x85: {  	v7 =	vld [tilespmem:s18+$0x97E0]  }
0x86: {  	v5 =	vadd.f32 v8, v5  }
0x87: {  	v8 =	vld [tilespmem:s18+$0xA520]  }
0x88: {  	v5 =	vadd.f32 v6, v5  }
0x89: {  	v6 =	vld [tilespmem:s18+$0xB260]  }
0x8a: {  	v5 =	vadd.f32 v7, v5  }
0x8b: {  	v7 =	vld [tilespmem:s18+$0xBFA0]  }
0x8c: {  	v5 =	vadd.f32 v8, v5  }
0x8d: {  	v8 =	vld [tilespmem:s18+$0xCCE0]  }
0x8e: {  	v5 =	vadd.f32 v6, v5;
	_ =	sdelay $0x1  }
0x8f: {  	v5 =	vadd.f32 v7, v5;
	_ =	sdelay $0x1  }
0x90: {  	v5 =	vadd.f32 v8, v5;
	_ =	sdelay $0x1  }
0x91: {  	[tilespmem:s17+$0x0] =	vst v5  }
0x92: {  	v5 =	vld [tilespmem:s18+$0x630]  }
0x93: {  	v6 =	vld [tilespmem:s18+$0x1370];
	_ =	sdelay $0x1  }
0x94: {  	v7 =	vld [tilespmem:s18+$0x20B0];
	_ =	sdelay $0x1  }
0x95: {  	v8 =	vld [tilespmem:s18+$0x2DF0]  }
0x96: {  	v5 =	vadd.f32 v6, v5  }
0x97: {  	v6 =	vld [tilespmem:s18+$0x3B30]  }
0x98: {  	v5 =	vadd.f32 v7, v5  }
0x99: {  	v7 =	vld [tilespmem:s18+$0x4870]  }
0x9a: {  	v5 =	vadd.f32 v8, v5  }
0x9b: {  	v8 =	vld [tilespmem:s18+$0x55B0]  }
0x9c: {  	v5 =	vadd.f32 v6, v5  }
0x9d: {  	v6 =	vld [tilespmem:s18+$0x62F0]  }
0x9e: {  	v5 =	vadd.f32 v7, v5  }
0x9f: {  	v7 =	vld [tilespmem:s18+$0x7030]  }
0xa0: {  	v5 =	vadd.f32 v8, v5  }
0xa1: {  	v8 =	vld [tilespmem:s18+$0x7D70]  }
0xa2: {  	v5 =	vadd.f32 v6, v5  }
0xa3: {  	v6 =	vld [tilespmem:s18+$0x8AB0]  }
0xa4: {  	v5 =	vadd.f32 v7, v5  }
0xa5: {  	v9 =	vld [tilespmem:s18+$0x97F0]  }
0xa6: {  	v5 =	vadd.f32 v8, v5  }
0xa7: {  	v8 =	vld [tilespmem:s18+$0xA530]  }
0xa8: {  	v5 =	vadd.f32 v6, v5  }
0xa9: {  	v7 =	vld [tilespmem:s18+$0xB270]  }
0xaa: {  	v9 =	vadd.f32 v9, v5  }
0xab: {  	v6 =	vld [tilespmem:s18+$0xBFB0]  }
0xac: {  	s19 =	simm.s32 $0x100;
	v5 =	vld [tilespmem:s18+$0xCCF0];
	s18 =	simm.s32 $0xDA20;
	v8 =	vadd.f32 v8, v9  }
.LBB2_6:
0xad: {  	_ = 	snop  }
0xae: {  	p0 =	sne.s32 s19, $0x3400;
	s16 =	sadd.s32 $0x40, s16;
	s17 =	sadd.s32 $0x80, s17;
	v7 =	vadd.f32 v7, v8  }
0xaf: {  	s20 =	smov.u32 s19;
	s19 =	sadd.s32 $0x100, s19  }
0xb0: {  	v6 =	vadd.f32 v6, v7;
	_ =	sdelay $0x1  }
0xb1: {  	s20 =	sshra.s32 s20, $0x2;
	v5 =	vadd.f32 v5, v6;
	_ =	sdelay $0x1  }
0xb2: {  	[tilespmem:s18+$0x10] =	vst v5;
	s18 =	smov.u32 s17  }
0xb3: {  	v5 =	vld [tilespmem:s20+$0x600]  }
0xb4: {  	s21 =	sand.u32 $0xFC0, s16;
	v6 =	vld [tilespmem:s20+$0x1340]  }
0xb5: {  	v7 =	vld [tilespmem:s21+$0x2080];
	_ =	sdelay $0x2  }
0xb6: {  	v8 =	vld [tilespmem:s20+$0x2DC0]  }
0xb7: {  	v5 =	vadd.f32 v6, v5  }
0xb8: {  	v6 =	vld [tilespmem:s21+$0x3B00]  }
0xb9: {  	v5 =	vadd.f32 v7, v5  }
0xba: {  	v7 =	vld [tilespmem:s20+$0x4840]  }
0xbb: {  	v5 =	vadd.f32 v8, v5  }
0xbc: {  	v8 =	vld [tilespmem:s21+$0x5580]  }
0xbd: {  	v5 =	vadd.f32 v6, v5  }
0xbe: {  	v6 =	vld [tilespmem:s20+$0x62C0]  }
0xbf: {  	v5 =	vadd.f32 v7, v5  }
0xc0: {  	v7 =	vld [tilespmem:s21+$0x7000]  }
0xc1: {  	v5 =	vadd.f32 v8, v5  }
0xc2: {  	v8 =	vld [tilespmem:s20+$0x7D40]  }
0xc3: {  	v5 =	vadd.f32 v6, v5  }
0xc4: {  	v6 =	vld [tilespmem:s21+$0x8A80]  }
0xc5: {  	v5 =	vadd.f32 v7, v5  }
0xc6: {  	v7 =	vld [tilespmem:s20+$0x97C0]  }
0xc7: {  	v5 =	vadd.f32 v8, v5  }
0xc8: {  	v8 =	vld [tilespmem:s21+$0xA500]  }
0xc9: {  	v5 =	vadd.f32 v6, v5  }
0xca: {  	v6 =	vld [tilespmem:s20+$0xB240]  }
0xcb: {  	v5 =	vadd.f32 v7, v5  }
0xcc: {  	v7 =	vld [tilespmem:s21+$0xBF80]  }
0xcd: {  	v5 =	vadd.f32 v8, v5  }
0xce: {  	v8 =	vld [tilespmem:s20+$0xCCC0]  }
0xcf: {  	v5 =	vadd.f32 v6, v5;
	_ =	sdelay $0x1  }
0xd0: {  	v5 =	vadd.f32 v7, v5;
	_ =	sdelay $0x1  }
0xd1: {  	v5 =	vadd.f32 v8, v5;
	_ =	sdelay $0x1  }
0xd2: {  	[tilespmem:s17+$0xFFFFFFE0] =	vst v5  }
0xd3: {  	v5 =	vld [tilespmem:s20+$0x610]  }
0xd4: {  	v6 =	vld [tilespmem:s20+$0x1350];
	_ =	sdelay $0x1  }
0xd5: {  	v7 =	vld [tilespmem:s20+$0x2090];
	_ =	sdelay $0x1  }
0xd6: {  	v8 =	vld [tilespmem:s20+$0x2DD0]  }
0xd7: {  	v5 =	vadd.f32 v6, v5  }
0xd8: {  	v6 =	vld [tilespmem:s20+$0x3B10]  }
0xd9: {  	v5 =	vadd.f32 v7, v5  }
0xda: {  	v7 =	vld [tilespmem:s20+$0x4850]  }
0xdb: {  	v5 =	vadd.f32 v8, v5  }
0xdc: {  	v8 =	vld [tilespmem:s20+$0x5590]  }
0xdd: {  	v5 =	vadd.f32 v6, v5  }
0xde: {  	v6 =	vld [tilespmem:s20+$0x62D0]  }
0xdf: {  	v5 =	vadd.f32 v7, v5  }
0xe0: {  	v7 =	vld [tilespmem:s20+$0x7010]  }
0xe1: {  	v5 =	vadd.f32 v8, v5  }
0xe2: {  	v8 =	vld [tilespmem:s20+$0x7D50]  }
0xe3: {  	v5 =	vadd.f32 v6, v5  }
0xe4: {  	v6 =	vld [tilespmem:s20+$0x8A90]  }
0xe5: {  	v5 =	vadd.f32 v7, v5  }
0xe6: {  	v7 =	vld [tilespmem:s20+$0x97D0]  }
0xe7: {  	v5 =	vadd.f32 v8, v5  }
0xe8: {  	v8 =	vld [tilespmem:s20+$0xA510]  }
0xe9: {  	v5 =	vadd.f32 v6, v5  }
0xea: {  	v6 =	vld [tilespmem:s20+$0xB250]  }
0xeb: {  	v5 =	vadd.f32 v7, v5  }
0xec: {  	v7 =	vld [tilespmem:s20+$0xBF90]  }
0xed: {  	v5 =	vadd.f32 v8, v5  }
0xee: {  	v8 =	vld [tilespmem:s20+$0xCCD0]  }
0xef: {  	v5 =	vadd.f32 v6, v5;
	_ =	sdelay $0x1  }
0xf0: {  	v5 =	vadd.f32 v7, v5;
	_ =	sdelay $0x1  }
0xf1: {  	v5 =	vadd.f32 v8, v5;
	_ =	sdelay $0x1  }
0xf2: {  	[tilespmem:s17+$0xFFFFFFF0] =	vst v5  }
0xf3: {  	v5 =	vld [tilespmem:s20+$0x620]  }
0xf4: {  	v6 =	vld [tilespmem:s20+$0x1360];
	_ =	sdelay $0x1  }
0xf5: {  	v7 =	vld [tilespmem:s20+$0x20A0];
	_ =	sdelay $0x1  }
0xf6: {  	v8 =	vld [tilespmem:s20+$0x2DE0]  }
0xf7: {  	v5 =	vadd.f32 v6, v5  }
0xf8: {  	v6 =	vld [tilespmem:s20+$0x3B20]  }
0xf9: {  	v5 =	vadd.f32 v7, v5  }
0xfa: {  	v7 =	vld [tilespmem:s20+$0x4860]  }
0xfb: {  	v5 =	vadd.f32 v8, v5  }
0xfc: {  	v8 =	vld [tilespmem:s20+$0x55A0]  }
0xfd: {  	v5 =	vadd.f32 v6, v5  }
0xfe: {  	v6 =	vld [tilespmem:s20+$0x62E0]  }
0xff: {  	v5 =	vadd.f32 v7, v5  }
0x100: {  	v7 =	vld [tilespmem:s20+$0x7020]  }
0x101: {  	v5 =	vadd.f32 v8, v5  }
0x102: {  	v8 =	vld [tilespmem:s20+$0x7D60]  }
0x103: {  	v5 =	vadd.f32 v6, v5  }
0x104: {  	v6 =	vld [tilespmem:s20+$0x8AA0]  }
0x105: {  	v5 =	vadd.f32 v7, v5  }
0x106: {  	v7 =	vld [tilespmem:s20+$0x97E0]  }
0x107: {  	v5 =	vadd.f32 v8, v5  }
0x108: {  	v8 =	vld [tilespmem:s20+$0xA520]  }
0x109: {  	v5 =	vadd.f32 v6, v5  }
0x10a: {  	v6 =	vld [tilespmem:s20+$0xB260]  }
0x10b: {  	v5 =	vadd.f32 v7, v5  }
0x10c: {  	v7 =	vld [tilespmem:s20+$0xBFA0]  }
0x10d: {  	v5 =	vadd.f32 v8, v5  }
0x10e: {  	v8 =	vld [tilespmem:s20+$0xCCE0]  }
0x10f: {  	v5 =	vadd.f32 v6, v5;
	_ =	sdelay $0x1  }
0x110: {  	v5 =	vadd.f32 v7, v5;
	_ =	sdelay $0x1  }
0x111: {  	v5 =	vadd.f32 v8, v5;
	_ =	sdelay $0x1  }
0x112: {  	[tilespmem:s17+$0x0] =	vst v5  }
0x113: {  	v5 =	vld [tilespmem:s20+$0x630]  }
0x114: {  	v6 =	vld [tilespmem:s20+$0x1370]  }
0x115: {  	v7 =	vld [tilespmem:s20+$0x20B0]  }
0x116: {  	v8 =	vld [tilespmem:s20+$0x2DF0]  }
0x117: {  	v9 =	vld [tilespmem:s20+$0x3B30]  }
0x118: {  	v10 =	vld [tilespmem:s20+$0x4870]  }
0x119: {  	v5 =	vadd.f32 v6, v5;
	v11 =	vld [tilespmem:s20+$0x55B0]  }
0x11a: {  	v12 =	vld [tilespmem:s20+$0x62F0]  }
0x11b: {  	v5 =	vadd.f32 v7, v5;
	v13 =	vld [tilespmem:s20+$0x7030]  }
0x11c: {  	v14 =	vld [tilespmem:s20+$0x7D70]  }
0x11d: {  	v5 =	vadd.f32 v8, v5;
	v8 =	vld [tilespmem:s20+$0x8AB0]  }
0x11e: {  	v15 =	vld [tilespmem:s20+$0x97F0]  }
0x11f: {  	v5 =	vadd.f32 v9, v5;
	v9 =	vld [tilespmem:s20+$0xA530]  }
0x120: {  	v7 =	vld [tilespmem:s20+$0xB270]  }
0x121: {  	v10 =	vadd.f32 v10, v5;
	v6 =	vld [tilespmem:s20+$0xBFB0]  }
0x122: {  	v5 =	vld [tilespmem:s20+$0xCCF0]  }
0x123: {  	v10 =	vadd.f32 v11, v10;
	_ =	sdelay $0x1  }
0x124: {  	v10 =	vadd.f32 v12, v10;
	_ =	sdelay $0x1  }
0x125: {  	v10 =	vadd.f32 v13, v10;
	_ =	sdelay $0x1  }
0x126: {  	v10 =	vadd.f32 v14, v10;
	_ =	sdelay $0x1  }
.Ltmp2:
0x127: {  	v8 =	vadd.f32 v8, v10;
	(pc) =	sbr.rel @p0 .LBB2_6-.Ltmp2, $3  }
0x128: {  	_ = 	snop  }
0x129: {  	v8 =	vadd.f32 v15, v8;
	_ =	sdelay $0x1  }
0x12a: {  	v8 =	vadd.f32 v9, v8  }
0x12b: {  	_ = 	snop  }
0x12c: {  	v7 =	vadd.f32 v7, v8;
	_ =	sdelay $0x1  }
0x12d: {  	v6 =	vadd.f32 v6, v7;
	_ =	sdelay $0x1  }
0x12e: {  	v5 =	vadd.f32 v5, v6;
	_ =	sdelay $0x1  }
0x12f: {  	[tilespmem:s18+$0x10] =	vst v5  }
0x130: {  	[hbm4b:s6+s2] =	stream.linear.scatter [tilespmem:s13], [sflag:$0x1], $0x1980, $0x38;
	[tilespmem:$0xF600] =	vst v63  }
0x131: {  	s15 =	sadd.s32 $0x1, s15;
	_ =	swait.ge [sflag:s9], $0x1980  }
0x132: {  	p0 =	sne.s32 s15, s8;
	[sflag:s9] =	ssyncset.done $0x0  }
.Ltmp3:
0x133: {  	[sflag:s9] =	ssyncadd.s32 $0xFFFFE680;
	(pc) =	sbr.rel @p0 .LBB2_1-.Ltmp3, $4  }
0x134: {  	[hbm4b:s7+s2] =	stream.linear.scatter [tilespmem:s14], [sflag:$0x1], $0x100, $0x38;
	[tilespmem:$0xF600] =	vst v63  }
0x135: {  	_ =	swait.ge [sflag:s9], $0x100  }
0x136: {  	[sflag:s9] =	ssyncset.done $0x0  }
0x137: {  	[sflag:s9] =	ssyncadd.s32 $0xFFFFFF00  }
0x138: {  	_ =	sfence.sel $0x180000  }
0x139: {  	[bflag:$0x0] =	sbarrier.arrive $0xFFFF  }
0x13a: {  	p0 =	sne.s32 s0, $0x0;
	_ =	strace $0x90000047  }
0x13b: {  	s0 =	sadd.s32 @!p0 $0x100000, s1;
	[bflag:$0x2] =	sbarrier.arrive $0xFFFF  }
0x13c: {  	[sflag:s0] =	ssyncadd.tile.s32 @!p0 $0x1;
	_ =	shalt  }
.Lfunc_end2:
_tile_overlayer_lowered:
.L_overlay_start_2:
0x13d: {  	(tag) =	ssettag $0x2  }
0x13e: {  	s0 =	rddreg [dreg:$0x0];
	s2 =	stileid.u32  }
0x13f: {  	s1 =	rddreg [dreg:$0x1];
	p0 =	sne.s32 s2, $0x0  }
0x140: {  	s3 =	rddreg [dreg:$0x2];
	[bflag:$0x3] =	sbarrier.arrive $0xFFFF;
	s2 =	simm.s32 @!p0 $0x1C01  }
0x141: {  	[timem:s3], [sflag:s2] =	dma.local @!p0 [hbm:s0], s1  }
0x142: {  	s0 =	simm.s32 @!p0 $0x1  }
0x143: {  	_ =	swait.ge @!p0 [sflag:s0], s1  }
0x144: {  	s1 =	ssub.s32 @!p0 $0x0, s1;
	[sflag:s0] =	ssyncset.done @!p0 $0x0  }
0x145: {  	[sflag:s0] =	ssyncadd.s32 @!p0 s1  }
0x146: {  	[bflag:$0x3] =	sbarrier.arrive $0xFFFF  }
0x147: {  	_ =	shalt  }

</sc_bundles>
